<compile_context>
chip_gen: v7x
topology: tpu7x:2x2x1
jax: 0.10.2.dev20260603
libtpu: 0.0.44.dev20260713+nightly
codegen_flags: <defaults>
</compile_context>

<pallas_src>
import functools

import jax
import jax.numpy as jnp
from jax import lax
from jax.experimental import pallas as pl
from jax.experimental.pallas import tpu as pltpu
from jax.experimental.pallas import tpu_sc as plsc

N = 10000
E = 320000
D = 128
H = 128
G = 64

NC = 2
NS = 16
NW = NC * NS
EB = 128
NBPT = 80
NB2 = NBPT * NW
EPAD = NB2 * EB - E
NPAD = 10112
RPT = NPAD // NS
_CHUNKS = [(k * EB, EB) for k in range(RPT // EB)] + \
    ([(RPT - RPT % EB, RPT % EB)] if RPT % EB else [])
DUMP = NPAD - 1

_mesh = plsc.VectorSubcoreMesh(core_axis_name="c", subcore_axis_name="s")


def _wid():
    return lax.axis_index("s") * NC + lax.axis_index("c")


@functools.partial(
    pl.kernel,
    mesh=_mesh,
    out_type=jax.ShapeDtypeStruct((NC, NPAD, H), jnp.float32),
    scratch_types=[
        pltpu.VMEM((EB, H), jnp.float32),
        pltpu.VMEM((NBPT, EB), jnp.int32),
        pltpu.VMEM_SHARED((NPAD, H), jnp.float32),
    ],
)
def _deg_kernel(dst_hbm, ones_hbm, zeros_hbm, cnt_hbm, ones_v, didx_all,
                acc):
    c = lax.axis_index("c")
    s = lax.axis_index("s")
    wid = _wid()
    base = s * RPT
    for off, ln in _CHUNKS:
        pltpu.sync_copy(zeros_hbm.at[pl.ds(0, ln)],
                        acc.at[pl.ds(base + off, ln)])
    pltpu.sync_copy(ones_hbm, ones_v)
    pltpu.sync_copy(dst_hbm.at[pl.ds(wid * NBPT, NBPT)], didx_all)
    plsc.subcore_barrier()

    def body(j, carry):
        pltpu.sync_copy(ones_v, acc.at[didx_all.at[j]], add=True)
        return carry

    lax.fori_loop(0, NBPT, body, 0)
    plsc.subcore_barrier()
    for off, ln in _CHUNKS:
        sl = pl.ds(base + off, ln)
        pltpu.sync_copy(acc.at[sl], cnt_hbm.at[c, sl])


@functools.partial(
    pl.kernel,
    mesh=_mesh,
    out_type=jax.ShapeDtypeStruct((NC, NPAD, H), jnp.float32),
    scratch_types=[
        pltpu.VMEM((NBPT, EB), jnp.int32),
        pltpu.VMEM((EB,), jnp.int32),
        pltpu.VMEM((EB,), jnp.int32),
        pltpu.VMEM((EB, H), jnp.float32),
        pltpu.VMEM((EB, H), jnp.float32),
        pltpu.VMEM_SHARED((NPAD, H), jnp.float32),
        pltpu.SemaphoreType.DMA,
        pltpu.SemaphoreType.DMA,
        pltpu.SemaphoreType.DMA,
        pltpu.SemaphoreType.DMA,
    ],
)
def _scat_kernel(z_hbm, src_hbm, dst_hbm, zeros_hbm, out_hbm,
                 sidx_all, didx0, didx1, rows0, rows1, acc,
                 semg0, semg1, semd0, semd1):
    c = lax.axis_index("c")
    s = lax.axis_index("s")
    wid = _wid()
    base = s * RPT
    for off, ln in _CHUNKS:
        pltpu.sync_copy(zeros_hbm.at[pl.ds(0, ln)],
                        acc.at[pl.ds(base + off, ln)])
    pltpu.sync_copy(src_hbm.at[pl.ds(wid * NBPT, NBPT)], sidx_all)
    plsc.subcore_barrier()

    gbase = wid * NBPT

    def pair(i, carry):
        j0 = 2 * i
        c0 = pltpu.async_copy(z_hbm.at[sidx_all.at[j0]], rows0, semg0)
        c1 = pltpu.async_copy(z_hbm.at[sidx_all.at[j0 + 1]], rows1, semg1)
        pltpu.sync_copy(dst_hbm.at[gbase + j0], didx0)
        pltpu.sync_copy(dst_hbm.at[gbase + j0 + 1], didx1)
        c0.wait()
        pltpu.sync_copy(rows0, acc.at[didx0], add=True)
        c1.wait()
        pltpu.sync_copy(rows1, acc.at[didx1], add=True)
        return carry

    lax.fori_loop(0, NBPT // 2, pair, 0)
    plsc.subcore_barrier()
    for off, ln in _CHUNKS:
        sl = pl.ds(base + off, ln)
        pltpu.sync_copy(acc.at[sl], out_hbm.at[c, sl])


def _mm1_body(x_ref, w_ref, cnt_ref, z_ref, dinv_ref):
    cnt = cnt_ref[0, :N, 0:1] + cnt_ref[1, :N, 0:1]
    dinv = lax.rsqrt(cnt + 1.0)
    dinv_ref[...] = dinv
    xw = jnp.dot(x_ref[...].astype(jnp.bfloat16),
                 w_ref[...].astype(jnp.bfloat16),
                 preferred_element_type=jnp.float32)
    z_ref[pl.ds(0, N), :] = xw * dinv
    z_ref[pl.ds(N, NPAD - N), :] = jnp.zeros((NPAD - N, H), jnp.float32)


_mm1 = functools.partial(
    pl.pallas_call,
    out_shape=(jax.ShapeDtypeStruct((NPAD, H), jnp.float32),
               jax.ShapeDtypeStruct((N, 1), jnp.float32)),
)(_mm1_body)


def _mid_body(p_ref, z1_ref, dinv_ref, w2_ref, b1_ref, z2_ref):
    s = p_ref[0, :N, :] + p_ref[1, :N, :]
    dinv = dinv_ref[...]
    h = jnp.maximum((s + z1_ref[:N, :]) * dinv + b1_ref[...], 0.0)
    z2_ref[pl.ds(0, N), :] = jnp.dot(
        h.astype(jnp.bfloat16), w2_ref[...].astype(jnp.bfloat16),
        preferred_element_type=jnp.float32) * dinv
    z2_ref[pl.ds(N, NPAD - N), :] = jnp.zeros((NPAD - N, H), jnp.float32)


_mid = functools.partial(
    pl.pallas_call,
    out_shape=jax.ShapeDtypeStruct((NPAD, H), jnp.float32),
)(_mid_body)


def _fin_body(p_ref, z2_ref, dinv_ref, b2_ref, batch_ref, wl_ref, bl_ref,
              out_ref):
    s = p_ref[0, :N, :] + p_ref[1, :N, :]
    h = (s + z2_ref[:N, :]) * dinv_ref[...] + b2_ref[...]
    b = batch_ref[...]
    gids = lax.broadcasted_iota(jnp.int32, (G, N), 0)
    onehot = (b == gids).astype(jnp.float32)
    sums = jnp.dot(onehot, h, preferred_element_type=jnp.float32,
                   precision="highest")
    cnts = jnp.sum(onehot, axis=1, keepdims=True)
    pooled = sums / jnp.maximum(cnts, 1.0)
    out_ref[...] = jnp.dot(
        pooled.astype(jnp.bfloat16), wl_ref[...].astype(jnp.bfloat16),
        preferred_element_type=jnp.float32) + bl_ref[...]


_fin = functools.partial(
    pl.pallas_call,
    out_shape=jax.ShapeDtypeStruct((G, 1), jnp.float32),
)(_fin_body)


def kernel(x, edge_index, batch, W1, b1, W2, b2, Wl, bl):
    lane = jnp.arange(EPAD, dtype=jnp.int32)
    src = jnp.concatenate([edge_index[0], lane % N]).reshape(NB2, EB)
    dst = jnp.concatenate([edge_index[1], N + lane % (NPAD - N)]
                          ).reshape(NB2, EB)
    ones128 = jnp.ones((EB, H), jnp.float32)
    zeros128 = jnp.zeros((EB, H), jnp.float32)

    cnt = _deg_kernel(dst, ones128, zeros128)
    z1, dinv = _mm1(x, W1, cnt)
    p1 = _scat_kernel(z1, src, dst, zeros128)
    z2 = _mid(p1, z1, dinv, W2, b1.reshape(1, H))
    p2 = _scat_kernel(z2, src, dst, zeros128)
    return _fin(p2, z2, dinv, b2.reshape(1, H), batch.reshape(1, N),
                Wl, bl.reshape(1, 1))

# --- scband reference (transcript-rebuilt; emitter-appended) ---
"""Pipeline reference for scband-graph-classifier-54348516163767 (READ-ONLY COPY).

The authoritative reference and input builder live on the scoring server;
editing this copy changes nothing except your own understanding.
"""

import jax, jax.numpy as jnp
import numpy as np

N = 10000
E = 320000
D = 128
H = 128
G = 64


def gcn_conv(x, edge_index, W, b):
    n = x.shape[0]
    src = edge_index[0]
    dst = edge_index[1]
    loop = jnp.arange(n, dtype=src.dtype)
    src = jnp.concatenate([src, loop])
    dst = jnp.concatenate([dst, loop])
    xw = x @ W
    deg = jax.ops.segment_sum(jnp.ones_like(dst, dtype=xw.dtype), dst, num_segments=n)
    dinv = jnp.where(deg > 0, 1.0 / jnp.sqrt(deg), 0.0)
    norm = dinv[src] * dinv[dst]
    msgs = xw[src] * norm[:, None]
    out = jax.ops.segment_sum(msgs, dst, num_segments=n)
    return out + b


def global_mean_pool(x, batch, num_graphs):
    sums = jax.ops.segment_sum(x, batch, num_segments=num_graphs)
    cnts = jax.ops.segment_sum(jnp.ones((x.shape[0], 1), dtype=x.dtype), batch, num_segments=num_graphs)
    return sums / jnp.maximum(cnts, 1.0)


def setup_inputs(seed: int = 0):
    key = jax.random.key(seed)
    ks = jax.random.split(key, 9)
    x = jax.random.normal(ks[0], (N, D), dtype=jnp.float32)
    edge_index = jax.random.randint(ks[1], (2, E), 0, N, dtype=jnp.int32)
    batch = jnp.sort(jax.random.randint(ks[2], (N,), 0, G, dtype=jnp.int32))
    W1 = jax.random.normal(ks[3], (D, H), dtype=jnp.float32) * (1.0 / np.sqrt(D))
    b1 = jnp.zeros((H,), dtype=jnp.float32)
    W2 = jax.random.normal(ks[4], (H, H), dtype=jnp.float32) * (1.0 / np.sqrt(H))
    b2 = jnp.zeros((H,), dtype=jnp.float32)
    Wl = jax.random.normal(ks[5], (H, 1), dtype=jnp.float32) * (1.0 / np.sqrt(H))
    bl = jnp.zeros((1,), dtype=jnp.float32)
    return {"x": x, "edge_index": edge_index, "batch": batch, "W1": W1, "b1": b1, "W2": W2, "b2": b2, "Wl": Wl, "bl": bl}


def reference(x, edge_index, batch, W1, b1, W2, b2, Wl, bl):
    # conv1 + relu (dropout is identity in eval mode)
    h = gcn_conv(x, edge_index, W1, b1)
    h = jax.nn.relu(h)
    # conv2
    h = gcn_conv(h, edge_index, W2, b2)
    # global mean pool over graphs
    pooled = global_mean_pool(h, batch, G)
    # final linear
    return pooled @ Wl + bl

if __name__ == "__main__":
    import jax
    _d = setup_inputs()
    print(jax.jit(kernel)(*tuple(_d.values())))

</pallas_src>

<mosaic_0001>
#map = affine_map<(d0, d1) -> (0, 0)>
#map1 = affine_map<(d0, d1) -> (0, 0, 0)>
module attributes {stable_mosaic.version = 14 : i64} {
  func.func @_deg_kernel(%arg0: i32, %arg1: i32, %arg2: memref<2560x128xi32, #tpu.memory_space<hbm>>, %arg3: memref<128x128xf32, #tpu.memory_space<hbm>>, %arg4: memref<128x128xf32, #tpu.memory_space<hbm>>, %arg5: memref<2x10112x128xf32, #tpu.memory_space<hbm>>, %arg6: memref<128x128xf32, #tpu.memory_space<vmem>>, %arg7: memref<80x128xi32, #tpu.memory_space<vmem>>, %arg8: memref<10112x128xf32, #tpu.memory_space<vmem_shared>>) attributes {dimension_semantics = [#tpu.dimension_semantics<core_parallel>, #tpu.dimension_semantics<subcore_parallel>], iteration_bounds = array<i64: 2, 16>, scalar_prefetch = 0 : i64, scratch_operands = 3 : i64, tpu.core_type = #tpu.core_type<sc_vector_subcore>, window_params = [{transform_indices = #map}, {transform_indices = #map}, {transform_indices = #map}, {transform_indices = #map1}]} {
    %mul3A = arith.constant 2 : i32
    %mul3A_0 = arith.muli %arg1, %mul3A : i32
    %add3A = arith.addi %mul3A_0, %arg0 : i32
    %mul3A_1 = arith.constant 632 : i32
    %mul3A_2 = arith.muli %arg1, %mul3A_1 : i32
    %add3A_3 = arith.constant 0 : i32
    %add3A_4 = arith.addi %mul3A_2, %add3A_3 : i32
    "tpu.region"() ({
      %run_scoped3A = tpu.sem_alloc : memref<!tpu.dma_semaphore, #tpu.memory_space<semaphore_mem>>
      %dma_start3A = arith.constant 0 : i32
      %dma_start3A_31 = tpu.memref_slice %arg8[%add3A_4, %dma_start3A] : memref<10112x128xf32, #tpu.memory_space<vmem_shared>> -> memref<128x128xf32, #tpu.memory_space<vmem_shared>>
      %dma_start3A_32 = arith.constant 0 : i32
      %dma_start3A_33 = arith.constant 0 : i32
      %dma_start3A_34 = tpu.memref_slice %arg4[%dma_start3A_32, %dma_start3A_33] : memref<128x128xf32, #tpu.memory_space<hbm>> -> memref<128x128xf32, #tpu.memory_space<hbm>>
      tpu.enqueue_dma source(%dma_start3A_34 : memref<128x128xf32, #tpu.memory_space<hbm>>) target(%dma_start3A_31 : memref<128x128xf32, #tpu.memory_space<vmem_shared>>) target_semaphore(%run_scoped3A : memref<!tpu.dma_semaphore, #tpu.memory_space<semaphore_mem>>)
      %dma_wait3A = arith.constant 0 : i32
      %dma_wait3A_35 = tpu.memref_slice %arg8[%add3A_4, %dma_wait3A] : memref<10112x128xf32, #tpu.memory_space<vmem_shared>> -> memref<128x128xf32, #tpu.memory_space<vmem_shared>>
      %dma_wait3A_36 = arith.constant 0 : i32
      %dma_wait3A_37 = arith.constant 0 : i32
      %dma_wait3A_38 = tpu.memref_slice %arg4[%dma_wait3A_36, %dma_wait3A_37] : memref<128x128xf32, #tpu.memory_space<hbm>> -> memref<128x128xf32, #tpu.memory_space<hbm>>
      tpu.wait_dma2 semaphore(%run_scoped3A : memref<!tpu.dma_semaphore, #tpu.memory_space<semaphore_mem>>) src(%dma_wait3A_38 : memref<128x128xf32, #tpu.memory_space<hbm>>) dst(%dma_wait3A_35 : memref<128x128xf32, #tpu.memory_space<vmem_shared>>)
      tpu.yield
    }) : () -> ()
    %add3A_5 = arith.constant 128 : i32
    %add3A_6 = arith.addi %mul3A_2, %add3A_5 : i32
    "tpu.region"() ({
      %run_scoped3A = tpu.sem_alloc : memref<!tpu.dma_semaphore, #tpu.memory_space<semaphore_mem>>
      %dma_start3A = arith.constant 0 : i32
      %dma_start3A_31 = tpu.memref_slice %arg8[%add3A_6, %dma_start3A] : memref<10112x128xf32, #tpu.memory_space<vmem_shared>> -> memref<128x128xf32, #tpu.memory_space<vmem_shared>>
      %dma_start3A_32 = arith.constant 0 : i32
      %dma_start3A_33 = arith.constant 0 : i32
      %dma_start3A_34 = tpu.memref_slice %arg4[%dma_start3A_32, %dma_start3A_33] : memref<128x128xf32, #tpu.memory_space<hbm>> -> memref<128x128xf32, #tpu.memory_space<hbm>>
      tpu.enqueue_dma source(%dma_start3A_34 : memref<128x128xf32, #tpu.memory_space<hbm>>) target(%dma_start3A_31 : memref<128x128xf32, #tpu.memory_space<vmem_shared>>) target_semaphore(%run_scoped3A : memref<!tpu.dma_semaphore, #tpu.memory_space<semaphore_mem>>)
      %dma_wait3A = arith.constant 0 : i32
      %dma_wait3A_35 = tpu.memref_slice %arg8[%add3A_6, %dma_wait3A] : memref<10112x128xf32, #tpu.memory_space<vmem_shared>> -> memref<128x128xf32, #tpu.memory_space<vmem_shared>>
      %dma_wait3A_36 = arith.constant 0 : i32
      %dma_wait3A_37 = arith.constant 0 : i32
      %dma_wait3A_38 = tpu.memref_slice %arg4[%dma_wait3A_36, %dma_wait3A_37] : memref<128x128xf32, #tpu.memory_space<hbm>> -> memref<128x128xf32, #tpu.memory_space<hbm>>
      tpu.wait_dma2 semaphore(%run_scoped3A : memref<!tpu.dma_semaphore, #tpu.memory_space<semaphore_mem>>) src(%dma_wait3A_38 : memref<128x128xf32, #tpu.memory_space<hbm>>) dst(%dma_wait3A_35 : memref<128x128xf32, #tpu.memory_space<vmem_shared>>)
      tpu.yield
    }) : () -> ()
    %add3A_7 = arith.constant 256 : i32
    %add3A_8 = arith.addi %mul3A_2, %add3A_7 : i32
    "tpu.region"() ({
      %run_scoped3A = tpu.sem_alloc : memref<!tpu.dma_semaphore, #tpu.memory_space<semaphore_mem>>
      %dma_start3A = arith.constant 0 : i32
      %dma_start3A_31 = tpu.memref_slice %arg8[%add3A_8, %dma_start3A] : memref<10112x128xf32, #tpu.memory_space<vmem_shared>> -> memref<128x128xf32, #tpu.memory_space<vmem_shared>>
      %dma_start3A_32 = arith.constant 0 : i32
      %dma_start3A_33 = arith.constant 0 : i32
      %dma_start3A_34 = tpu.memref_slice %arg4[%dma_start3A_32, %dma_start3A_33] : memref<128x128xf32, #tpu.memory_space<hbm>> -> memref<128x128xf32, #tpu.memory_space<hbm>>
      tpu.enqueue_dma source(%dma_start3A_34 : memref<128x128xf32, #tpu.memory_space<hbm>>) target(%dma_start3A_31 : memref<128x128xf32, #tpu.memory_space<vmem_shared>>) target_semaphore(%run_scoped3A : memref<!tpu.dma_semaphore, #tpu.memory_space<semaphore_mem>>)
      %dma_wait3A = arith.constant 0 : i32
      %dma_wait3A_35 = tpu.memref_slice %arg8[%add3A_8, %dma_wait3A] : memref<10112x128xf32, #tpu.memory_space<vmem_shared>> -> memref<128x128xf32, #tpu.memory_space<vmem_shared>>
      %dma_wait3A_36 = arith.constant 0 : i32
      %dma_wait3A_37 = arith.constant 0 : i32
      %dma_wait3A_38 = tpu.memref_slice %arg4[%dma_wait3A_36, %dma_wait3A_37] : memref<128x128xf32, #tpu.memory_space<hbm>> -> memref<128x128xf32, #tpu.memory_space<hbm>>
      tpu.wait_dma2 semaphore(%run_scoped3A : memref<!tpu.dma_semaphore, #tpu.memory_space<semaphore_mem>>) src(%dma_wait3A_38 : memref<128x128xf32, #tpu.memory_space<hbm>>) dst(%dma_wait3A_35 : memref<128x128xf32, #tpu.memory_space<vmem_shared>>)
      tpu.yield
    }) : () -> ()
    %add3A_9 = arith.constant 384 : i32
    %add3A_10 = arith.addi %mul3A_2, %add3A_9 : i32
    "tpu.region"() ({
      %run_scoped3A = tpu.sem_alloc : memref<!tpu.dma_semaphore, #tpu.memory_space<semaphore_mem>>
      %dma_start3A = arith.constant 0 : i32
      %dma_start3A_31 = tpu.memref_slice %arg8[%add3A_10, %dma_start3A] : memref<10112x128xf32, #tpu.memory_space<vmem_shared>> -> memref<128x128xf32, #tpu.memory_space<vmem_shared>>
      %dma_start3A_32 = arith.constant 0 : i32
      %dma_start3A_33 = arith.constant 0 : i32
      %dma_start3A_34 = tpu.memref_slice %arg4[%dma_start3A_32, %dma_start3A_33] : memref<128x128xf32, #tpu.memory_space<hbm>> -> memref<128x128xf32, #tpu.memory_space<hbm>>
      tpu.enqueue_dma source(%dma_start3A_34 : memref<128x128xf32, #tpu.memory_space<hbm>>) target(%dma_start3A_31 : memref<128x128xf32, #tpu.memory_space<vmem_shared>>) target_semaphore(%run_scoped3A : memref<!tpu.dma_semaphore, #tpu.memory_space<semaphore_mem>>)
      %dma_wait3A = arith.constant 0 : i32
      %dma_wait3A_35 = tpu.memref_slice %arg8[%add3A_10, %dma_wait3A] : memref<10112x128xf32, #tpu.memory_space<vmem_shared>> -> memref<128x128xf32, #tpu.memory_space<vmem_shared>>
      %dma_wait3A_36 = arith.constant 0 : i32
      %dma_wait3A_37 = arith.constant 0 : i32
      %dma_wait3A_38 = tpu.memref_slice %arg4[%dma_wait3A_36, %dma_wait3A_37] : memref<128x128xf32, #tpu.memory_space<hbm>> -> memref<128x128xf32, #tpu.memory_space<hbm>>
      tpu.wait_dma2 semaphore(%run_scoped3A : memref<!tpu.dma_semaphore, #tpu.memory_space<semaphore_mem>>) src(%dma_wait3A_38 : memref<128x128xf32, #tpu.memory_space<hbm>>) dst(%dma_wait3A_35 : memref<128x128xf32, #tpu.memory_space<vmem_shared>>)
      tpu.yield
    }) : () -> ()
    %add3A_11 = arith.constant 512 : i32
    %add3A_12 = arith.addi %mul3A_2, %add3A_11 : i32
    "tpu.region"() ({
      %run_scoped3A = tpu.sem_alloc : memref<!tpu.dma_semaphore, #tpu.memory_space<semaphore_mem>>
      %dma_start3A = arith.constant 0 : i32
      %dma_start3A_31 = tpu.memref_slice %arg8[%add3A_12, %dma_start3A] : memref<10112x128xf32, #tpu.memory_space<vmem_shared>> -> memref<120x128xf32, #tpu.memory_space<vmem_shared>>
      %dma_start3A_32 = arith.constant 0 : i32
      %dma_start3A_33 = arith.constant 0 : i32
      %dma_start3A_34 = tpu.memref_slice %arg4[%dma_start3A_32, %dma_start3A_33] : memref<128x128xf32, #tpu.memory_space<hbm>> -> memref<120x128xf32, #tpu.memory_space<hbm>>
      tpu.enqueue_dma source(%dma_start3A_34 : memref<120x128xf32, #tpu.memory_space<hbm>>) target(%dma_start3A_31 : memref<120x128xf32, #tpu.memory_space<vmem_shared>>) target_semaphore(%run_scoped3A : memref<!tpu.dma_semaphore, #tpu.memory_space<semaphore_mem>>)
      %dma_wait3A = arith.constant 0 : i32
      %dma_wait3A_35 = tpu.memref_slice %arg8[%add3A_12, %dma_wait3A] : memref<10112x128xf32, #tpu.memory_space<vmem_shared>> -> memref<120x128xf32, #tpu.memory_space<vmem_shared>>
      %dma_wait3A_36 = arith.constant 0 : i32
      %dma_wait3A_37 = arith.constant 0 : i32
      %dma_wait3A_38 = tpu.memref_slice %arg4[%dma_wait3A_36, %dma_wait3A_37] : memref<128x128xf32, #tpu.memory_space<hbm>> -> memref<120x128xf32, #tpu.memory_space<hbm>>
      tpu.wait_dma2 semaphore(%run_scoped3A : memref<!tpu.dma_semaphore, #tpu.memory_space<semaphore_mem>>) src(%dma_wait3A_38 : memref<120x128xf32, #tpu.memory_space<hbm>>) dst(%dma_wait3A_35 : memref<120x128xf32, #tpu.memory_space<vmem_shared>>)
      tpu.yield
    }) : () -> ()
    "tpu.region"() ({
      %run_scoped3A = tpu.sem_alloc : memref<!tpu.dma_semaphore, #tpu.memory_space<semaphore_mem>>
      tpu.enqueue_dma source(%arg3 : memref<128x128xf32, #tpu.memory_space<hbm>>) target(%arg6 : memref<128x128xf32, #tpu.memory_space<vmem>>) target_semaphore(%run_scoped3A : memref<!tpu.dma_semaphore, #tpu.memory_space<semaphore_mem>>)
      tpu.wait_dma2 semaphore(%run_scoped3A : memref<!tpu.dma_semaphore, #tpu.memory_space<semaphore_mem>>) src(%arg3 : memref<128x128xf32, #tpu.memory_space<hbm>>) dst(%arg6 : memref<128x128xf32, #tpu.memory_space<vmem>>)
      tpu.yield
    }) : () -> ()
    %mul3A_13 = arith.constant 80 : i32
    %mul3A_14 = arith.muli %add3A, %mul3A_13 : i32
    "tpu.region"() ({
      %run_scoped3A = tpu.sem_alloc : memref<!tpu.dma_semaphore, #tpu.memory_space<semaphore_mem>>
      %dma_start3A = arith.constant 0 : i32
      %dma_start3A_31 = tpu.memref_slice %arg2[%mul3A_14, %dma_start3A] : memref<2560x128xi32, #tpu.memory_space<hbm>> -> memref<80x128xi32, #tpu.memory_space<hbm>>
      %dma_start3A_32 = arith.constant 0 : i32
      %dma_start3A_33 = tpu.memref_slice %arg2[%mul3A_14, %dma_start3A_32] : memref<2560x128xi32, #tpu.memory_space<hbm>> -> memref<80x128xi32, #tpu.memory_space<hbm>>
      tpu.enqueue_dma source(%dma_start3A_33 : memref<80x128xi32, #tpu.memory_space<hbm>>) target(%arg7 : memref<80x128xi32, #tpu.memory_space<vmem>>) target_semaphore(%run_scoped3A : memref<!tpu.dma_semaphore, #tpu.memory_space<semaphore_mem>>)
      %dma_wait3A = arith.constant 0 : i32
      %dma_wait3A_34 = tpu.memref_slice %arg2[%mul3A_14, %dma_wait3A] : memref<2560x128xi32, #tpu.memory_space<hbm>> -> memref<80x128xi32, #tpu.memory_space<hbm>>
      %dma_wait3A_35 = arith.constant 0 : i32
      %dma_wait3A_36 = tpu.memref_slice %arg2[%mul3A_14, %dma_wait3A_35] : memref<2560x128xi32, #tpu.memory_space<hbm>> -> memref<80x128xi32, #tpu.memory_space<hbm>>
      tpu.wait_dma2 semaphore(%run_scoped3A : memref<!tpu.dma_semaphore, #tpu.memory_space<semaphore_mem>>) src(%dma_wait3A_36 : memref<80x128xi32, #tpu.memory_space<hbm>>) dst(%arg7 : memref<80x128xi32, #tpu.memory_space<vmem>>)
      tpu.yield
    }) : () -> ()
    %barrier3A = arith.constant 0 : index
    tpu.barrier barrier_id(%barrier3A)
    %scan3A = arith.constant 0 : i32
    %scan3A_15 = arith.constant 0 : i32
    %scan3A_16 = arith.constant 80 : i32
    %scan3A_17 = arith.addi %scan3A_15, %scan3A_16 : i32
    %scan3A_18 = arith.constant 1 : i32
    scf.for %scan3A_31 = %scan3A_15 to %scan3A_17 step %scan3A_18  : i32 {
      "tpu.region"() ({
        %run_scoped3A = tpu.sem_alloc : memref<!tpu.dma_semaphore, #tpu.memory_space<semaphore_mem>>
        %dma_start3A = arith.constant 0 : i32
        %dma_start3A_32 = tpu.memref_slice %arg7[%scan3A_31, %dma_start3A] : memref<80x128xi32, #tpu.memory_space<vmem>> -> memref<1x128xi32, #tpu.memory_space<vmem>>
        %dma_start3A_33 = tpu.memref_squeeze %dma_start3A_32 : memref<1x128xi32, #tpu.memory_space<vmem>> -> memref<128xi32, #tpu.memory_space<vmem>>
        %dma_start3A_34 = arith.constant 0 : i32
        %dma_start3A_35 = arith.constant 0 : i32
        %dma_start3A_36 = tpu.memref_slice %arg8[%dma_start3A_34, %dma_start3A_35] : memref<10112x128xf32, #tpu.memory_space<vmem_shared>> -> memref<10112x128xf32, #tpu.memory_space<vmem_shared>>
        tpu.enqueue_indirect_dma source(%arg6 : memref<128x128xf32, #tpu.memory_space<vmem>>) target(%dma_start3A_36 : memref<10112x128xf32, #tpu.memory_space<vmem_shared>>) offsets(%dma_start3A_33 : memref<128xi32, #tpu.memory_space<vmem>>) semaphore(%run_scoped3A : memref<!tpu.dma_semaphore, #tpu.memory_space<semaphore_mem>>) {add = true}
        %dma_wait3A = arith.constant 0 : i32
        %dma_wait3A_37 = tpu.memref_slice %arg7[%scan3A_31, %dma_wait3A] : memref<80x128xi32, #tpu.memory_space<vmem>> -> memref<1x128xi32, #tpu.memory_space<vmem>>
        %dma_wait3A_38 = tpu.memref_squeeze %dma_wait3A_37 : memref<1x128xi32, #tpu.memory_space<vmem>> -> memref<128xi32, #tpu.memory_space<vmem>>
        %dma_wait3A_39 = arith.constant 0 : i32
        %dma_wait3A_40 = arith.constant 0 : i32
        %dma_wait3A_41 = tpu.memref_slice %arg8[%dma_wait3A_39, %dma_wait3A_40] : memref<10112x128xf32, #tpu.memory_space<vmem_shared>> -> memref<10112x128xf32, #tpu.memory_space<vmem_shared>>
        tpu.wait_indirect_dma semaphore(%run_scoped3A : memref<!tpu.dma_semaphore, #tpu.memory_space<semaphore_mem>>) src(%arg6 : memref<128x128xf32, #tpu.memory_space<vmem>>) dst(%dma_wait3A_41 : memref<10112x128xf32, #tpu.memory_space<vmem_shared>>)
        tpu.yield
      }) : () -> ()
    }
    %scan3A_19 = arith.constant 80 : i32
    %barrier3A_20 = arith.constant 0 : index
    tpu.barrier barrier_id(%barrier3A_20)
    %add3A_21 = arith.constant 0 : i32
    %add3A_22 = arith.addi %mul3A_2, %add3A_21 : i32
    "tpu.region"() ({
      %run_scoped3A = tpu.sem_alloc : memref<!tpu.dma_semaphore, #tpu.memory_space<semaphore_mem>>
      %dma_start3A = arith.constant 0 : i32
      %dma_start3A_31 = tpu.memref_slice %arg5[%arg0, %add3A_22, %dma_start3A] : memref<2x10112x128xf32, #tpu.memory_space<hbm>> -> memref<1x128x128xf32, #tpu.memory_space<hbm>>
      %dma_start3A_32 = tpu.memref_squeeze %dma_start3A_31 : memref<1x128x128xf32, #tpu.memory_space<hbm>> -> memref<128x128xf32, #tpu.memory_space<hbm>>
      %dma_start3A_33 = arith.constant 0 : i32
      %dma_start3A_34 = tpu.memref_slice %arg8[%add3A_22, %dma_start3A_33] : memref<10112x128xf32, #tpu.memory_space<vmem_shared>> -> memref<128x128xf32, #tpu.memory_space<vmem_shared>>
      tpu.enqueue_dma source(%dma_start3A_34 : memref<128x128xf32, #tpu.memory_space<vmem_shared>>) target(%dma_start3A_32 : memref<128x128xf32, #tpu.memory_space<hbm>>) target_semaphore(%run_scoped3A : memref<!tpu.dma_semaphore, #tpu.memory_space<semaphore_mem>>)
      %dma_wait3A = arith.constant 0 : i32
      %dma_wait3A_35 = tpu.memref_slice %arg5[%arg0, %add3A_22, %dma_wait3A] : memref<2x10112x128xf32, #tpu.memory_space<hbm>> -> memref<1x128x128xf32, #tpu.memory_space<hbm>>
      %dma_wait3A_36 = tpu.memref_squeeze %dma_wait3A_35 : memref<1x128x128xf32, #tpu.memory_space<hbm>> -> memref<128x128xf32, #tpu.memory_space<hbm>>
      %dma_wait3A_37 = arith.constant 0 : i32
      %dma_wait3A_38 = tpu.memref_slice %arg8[%add3A_22, %dma_wait3A_37] : memref<10112x128xf32, #tpu.memory_space<vmem_shared>> -> memref<128x128xf32, #tpu.memory_space<vmem_shared>>
      tpu.wait_dma2 semaphore(%run_scoped3A : memref<!tpu.dma_semaphore, #tpu.memory_space<semaphore_mem>>) src(%dma_wait3A_38 : memref<128x128xf32, #tpu.memory_space<vmem_shared>>) dst(%dma_wait3A_36 : memref<128x128xf32, #tpu.memory_space<hbm>>)
      tpu.yield
    }) : () -> ()
    %add3A_23 = arith.constant 128 : i32
    %add3A_24 = arith.addi %mul3A_2, %add3A_23 : i32
    "tpu.region"() ({
      %run_scoped3A = tpu.sem_alloc : memref<!tpu.dma_semaphore, #tpu.memory_space<semaphore_mem>>
      %dma_start3A = arith.constant 0 : i32
      %dma_start3A_31 = tpu.memref_slice %arg5[%arg0, %add3A_24, %dma_start3A] : memref<2x10112x128xf32, #tpu.memory_space<hbm>> -> memref<1x128x128xf32, #tpu.memory_space<hbm>>
      %dma_start3A_32 = tpu.memref_squeeze %dma_start3A_31 : memref<1x128x128xf32, #tpu.memory_space<hbm>> -> memref<128x128xf32, #tpu.memory_space<hbm>>
      %dma_start3A_33 = arith.constant 0 : i32
      %dma_start3A_34 = tpu.memref_slice %arg8[%add3A_24, %dma_start3A_33] : memref<10112x128xf32, #tpu.memory_space<vmem_shared>> -> memref<128x128xf32, #tpu.memory_space<vmem_shared>>
      tpu.enqueue_dma source(%dma_start3A_34 : memref<128x128xf32, #tpu.memory_space<vmem_shared>>) target(%dma_start3A_32 : memref<128x128xf32, #tpu.memory_space<hbm>>) target_semaphore(%run_scoped3A : memref<!tpu.dma_semaphore, #tpu.memory_space<semaphore_mem>>)
      %dma_wait3A = arith.constant 0 : i32
      %dma_wait3A_35 = tpu.memref_slice %arg5[%arg0, %add3A_24, %dma_wait3A] : memref<2x10112x128xf32, #tpu.memory_space<hbm>> -> memref<1x128x128xf32, #tpu.memory_space<hbm>>
      %dma_wait3A_36 = tpu.memref_squeeze %dma_wait3A_35 : memref<1x128x128xf32, #tpu.memory_space<hbm>> -> memref<128x128xf32, #tpu.memory_space<hbm>>
      %dma_wait3A_37 = arith.constant 0 : i32
      %dma_wait3A_38 = tpu.memref_slice %arg8[%add3A_24, %dma_wait3A_37] : memref<10112x128xf32, #tpu.memory_space<vmem_shared>> -> memref<128x128xf32, #tpu.memory_space<vmem_shared>>
      tpu.wait_dma2 semaphore(%run_scoped3A : memref<!tpu.dma_semaphore, #tpu.memory_space<semaphore_mem>>) src(%dma_wait3A_38 : memref<128x128xf32, #tpu.memory_space<vmem_shared>>) dst(%dma_wait3A_36 : memref<128x128xf32, #tpu.memory_space<hbm>>)
      tpu.yield
    }) : () -> ()
    %add3A_25 = arith.constant 256 : i32
    %add3A_26 = arith.addi %mul3A_2, %add3A_25 : i32
    "tpu.region"() ({
      %run_scoped3A = tpu.sem_alloc : memref<!tpu.dma_semaphore, #tpu.memory_space<semaphore_mem>>
      %dma_start3A = arith.constant 0 : i32
      %dma_start3A_31 = tpu.memref_slice %arg5[%arg0, %add3A_26, %dma_start3A] : memref<2x10112x128xf32, #tpu.memory_space<hbm>> -> memref<1x128x128xf32, #tpu.memory_space<hbm>>
      %dma_start3A_32 = tpu.memref_squeeze %dma_start3A_31 : memref<1x128x128xf32, #tpu.memory_space<hbm>> -> memref<128x128xf32, #tpu.memory_space<hbm>>
      %dma_start3A_33 = arith.constant 0 : i32
      %dma_start3A_34 = tpu.memref_slice %arg8[%add3A_26, %dma_start3A_33] : memref<10112x128xf32, #tpu.memory_space<vmem_shared>> -> memref<128x128xf32, #tpu.memory_space<vmem_shared>>
      tpu.enqueue_dma source(%dma_start3A_34 : memref<128x128xf32, #tpu.memory_space<vmem_shared>>) target(%dma_start3A_32 : memref<128x128xf32, #tpu.memory_space<hbm>>) target_semaphore(%run_scoped3A : memref<!tpu.dma_semaphore, #tpu.memory_space<semaphore_mem>>)
      %dma_wait3A = arith.constant 0 : i32
      %dma_wait3A_35 = tpu.memref_slice %arg5[%arg0, %add3A_26, %dma_wait3A] : memref<2x10112x128xf32, #tpu.memory_space<hbm>> -> memref<1x128x128xf32, #tpu.memory_space<hbm>>
      %dma_wait3A_36 = tpu.memref_squeeze %dma_wait3A_35 : memref<1x128x128xf32, #tpu.memory_space<hbm>> -> memref<128x128xf32, #tpu.memory_space<hbm>>
      %dma_wait3A_37 = arith.constant 0 : i32
      %dma_wait3A_38 = tpu.memref_slice %arg8[%add3A_26, %dma_wait3A_37] : memref<10112x128xf32, #tpu.memory_space<vmem_shared>> -> memref<128x128xf32, #tpu.memory_space<vmem_shared>>
      tpu.wait_dma2 semaphore(%run_scoped3A : memref<!tpu.dma_semaphore, #tpu.memory_space<semaphore_mem>>) src(%dma_wait3A_38 : memref<128x128xf32, #tpu.memory_space<vmem_shared>>) dst(%dma_wait3A_36 : memref<128x128xf32, #tpu.memory_space<hbm>>)
      tpu.yield
    }) : () -> ()
    %add3A_27 = arith.constant 384 : i32
    %add3A_28 = arith.addi %mul3A_2, %add3A_27 : i32
    "tpu.region"() ({
      %run_scoped3A = tpu.sem_alloc : memref<!tpu.dma_semaphore, #tpu.memory_space<semaphore_mem>>
      %dma_start3A = arith.constant 0 : i32
      %dma_start3A_31 = tpu.memref_slice %arg5[%arg0, %add3A_28, %dma_start3A] : memref<2x10112x128xf32, #tpu.memory_space<hbm>> -> memref<1x128x128xf32, #tpu.memory_space<hbm>>
      %dma_start3A_32 = tpu.memref_squeeze %dma_start3A_31 : memref<1x128x128xf32, #tpu.memory_space<hbm>> -> memref<128x128xf32, #tpu.memory_space<hbm>>
      %dma_start3A_33 = arith.constant 0 : i32
      %dma_start3A_34 = tpu.memref_slice %arg8[%add3A_28, %dma_start3A_33] : memref<10112x128xf32, #tpu.memory_space<vmem_shared>> -> memref<128x128xf32, #tpu.memory_space<vmem_shared>>
      tpu.enqueue_dma source(%dma_start3A_34 : memref<128x128xf32, #tpu.memory_space<vmem_shared>>) target(%dma_start3A_32 : memref<128x128xf32, #tpu.memory_space<hbm>>) target_semaphore(%run_scoped3A : memref<!tpu.dma_semaphore, #tpu.memory_space<semaphore_mem>>)
      %dma_wait3A = arith.constant 0 : i32
      %dma_wait3A_35 = tpu.memref_slice %arg5[%arg0, %add3A_28, %dma_wait3A] : memref<2x10112x128xf32, #tpu.memory_space<hbm>> -> memref<1x128x128xf32, #tpu.memory_space<hbm>>
      %dma_wait3A_36 = tpu.memref_squeeze %dma_wait3A_35 : memref<1x128x128xf32, #tpu.memory_space<hbm>> -> memref<128x128xf32, #tpu.memory_space<hbm>>
      %dma_wait3A_37 = arith.constant 0 : i32
      %dma_wait3A_38 = tpu.memref_slice %arg8[%add3A_28, %dma_wait3A_37] : memref<10112x128xf32, #tpu.memory_space<vmem_shared>> -> memref<128x128xf32, #tpu.memory_space<vmem_shared>>
      tpu.wait_dma2 semaphore(%run_scoped3A : memref<!tpu.dma_semaphore, #tpu.memory_space<semaphore_mem>>) src(%dma_wait3A_38 : memref<128x128xf32, #tpu.memory_space<vmem_shared>>) dst(%dma_wait3A_36 : memref<128x128xf32, #tpu.memory_space<hbm>>)
      tpu.yield
    }) : () -> ()
    %add3A_29 = arith.constant 512 : i32
    %add3A_30 = arith.addi %mul3A_2, %add3A_29 : i32
    "tpu.region"() ({
      %run_scoped3A = tpu.sem_alloc : memref<!tpu.dma_semaphore, #tpu.memory_space<semaphore_mem>>
      %dma_start3A = arith.constant 0 : i32
      %dma_start3A_31 = tpu.memref_slice %arg5[%arg0, %add3A_30, %dma_start3A] : memref<2x10112x128xf32, #tpu.memory_space<hbm>> -> memref<1x120x128xf32, #tpu.memory_space<hbm>>
      %dma_start3A_32 = tpu.memref_squeeze %dma_start3A_31 : memref<1x120x128xf32, #tpu.memory_space<hbm>> -> memref<120x128xf32, #tpu.memory_space<hbm>>
      %dma_start3A_33 = arith.constant 0 : i32
      %dma_start3A_34 = tpu.memref_slice %arg8[%add3A_30, %dma_start3A_33] : memref<10112x128xf32, #tpu.memory_space<vmem_shared>> -> memref<120x128xf32, #tpu.memory_space<vmem_shared>>
      tpu.enqueue_dma source(%dma_start3A_34 : memref<120x128xf32, #tpu.memory_space<vmem_shared>>) target(%dma_start3A_32 : memref<120x128xf32, #tpu.memory_space<hbm>>) target_semaphore(%run_scoped3A : memref<!tpu.dma_semaphore, #tpu.memory_space<semaphore_mem>>)
      %dma_wait3A = arith.constant 0 : i32
      %dma_wait3A_35 = tpu.memref_slice %arg5[%arg0, %add3A_30, %dma_wait3A] : memref<2x10112x128xf32, #tpu.memory_space<hbm>> -> memref<1x120x128xf32, #tpu.memory_space<hbm>>
      %dma_wait3A_36 = tpu.memref_squeeze %dma_wait3A_35 : memref<1x120x128xf32, #tpu.memory_space<hbm>> -> memref<120x128xf32, #tpu.memory_space<hbm>>
      %dma_wait3A_37 = arith.constant 0 : i32
      %dma_wait3A_38 = tpu.memref_slice %arg8[%add3A_30, %dma_wait3A_37] : memref<10112x128xf32, #tpu.memory_space<vmem_shared>> -> memref<120x128xf32, #tpu.memory_space<vmem_shared>>
      tpu.wait_dma2 semaphore(%run_scoped3A : memref<!tpu.dma_semaphore, #tpu.memory_space<semaphore_mem>>) src(%dma_wait3A_38 : memref<120x128xf32, #tpu.memory_space<vmem_shared>>) dst(%dma_wait3A_36 : memref<120x128xf32, #tpu.memory_space<hbm>>)
      tpu.yield
    }) : () -> ()
    return
  }
}

#map = affine_map<(d0, d1) -> (0, 0)>
#map1 = affine_map<(d0, d1) -> (0, 0, 0)>
module attributes {stable_mosaic.version = 14 : i64} {
  func.func @_scat_kernel(%arg0: i32, %arg1: i32, %arg2: memref<10112x128xf32, #tpu.memory_space<hbm>>, %arg3: memref<2560x128xi32, #tpu.memory_space<hbm>>, %arg4: memref<2560x128xi32, #tpu.memory_space<hbm>>, %arg5: memref<128x128xf32, #tpu.memory_space<hbm>>, %arg6: memref<2x10112x128xf32, #tpu.memory_space<hbm>>, %arg7: memref<80x128xi32, #tpu.memory_space<vmem>>, %arg8: memref<128xi32, #tpu.memory_space<vmem>>, %arg9: memref<128xi32, #tpu.memory_space<vmem>>, %arg10: memref<128x128xf32, #tpu.memory_space<vmem>>, %arg11: memref<128x128xf32, #tpu.memory_space<vmem>>, %arg12: memref<10112x128xf32, #tpu.memory_space<vmem_shared>>, %arg13: memref<!tpu.dma_semaphore, #tpu.memory_space<semaphore_mem>>, %arg14: memref<!tpu.dma_semaphore, #tpu.memory_space<semaphore_mem>>, %arg15: memref<!tpu.dma_semaphore, #tpu.memory_space<semaphore_mem>>, %arg16: memref<!tpu.dma_semaphore, #tpu.memory_space<semaphore_mem>>) attributes {dimension_semantics = [#tpu.dimension_semantics<core_parallel>, #tpu.dimension_semantics<subcore_parallel>], iteration_bounds = array<i64: 2, 16>, scalar_prefetch = 0 : i64, scratch_operands = 10 : i64, tpu.core_type = #tpu.core_type<sc_vector_subcore>, window_params = [{transform_indices = #map}, {transform_indices = #map}, {transform_indices = #map}, {transform_indices = #map}, {transform_indices = #map1}]} {
    %mul3A = arith.constant 2 : i32
    %mul3A_0 = arith.muli %arg1, %mul3A : i32
    %add3A = arith.addi %mul3A_0, %arg0 : i32
    %mul3A_1 = arith.constant 632 : i32
    %mul3A_2 = arith.muli %arg1, %mul3A_1 : i32
    %add3A_3 = arith.constant 0 : i32
    %add3A_4 = arith.addi %mul3A_2, %add3A_3 : i32
    "tpu.region"() ({
      %run_scoped3A = tpu.sem_alloc : memref<!tpu.dma_semaphore, #tpu.memory_space<semaphore_mem>>
      %dma_start3A = arith.constant 0 : i32
      %dma_start3A_33 = tpu.memref_slice %arg12[%add3A_4, %dma_start3A] : memref<10112x128xf32, #tpu.memory_space<vmem_shared>> -> memref<128x128xf32, #tpu.memory_space<vmem_shared>>
      %dma_start3A_34 = arith.constant 0 : i32
      %dma_start3A_35 = arith.constant 0 : i32
      %dma_start3A_36 = tpu.memref_slice %arg5[%dma_start3A_34, %dma_start3A_35] : memref<128x128xf32, #tpu.memory_space<hbm>> -> memref<128x128xf32, #tpu.memory_space<hbm>>
      tpu.enqueue_dma source(%dma_start3A_36 : memref<128x128xf32, #tpu.memory_space<hbm>>) target(%dma_start3A_33 : memref<128x128xf32, #tpu.memory_space<vmem_shared>>) target_semaphore(%run_scoped3A : memref<!tpu.dma_semaphore, #tpu.memory_space<semaphore_mem>>)
      %dma_wait3A = arith.constant 0 : i32
      %dma_wait3A_37 = tpu.memref_slice %arg12[%add3A_4, %dma_wait3A] : memref<10112x128xf32, #tpu.memory_space<vmem_shared>> -> memref<128x128xf32, #tpu.memory_space<vmem_shared>>
      %dma_wait3A_38 = arith.constant 0 : i32
      %dma_wait3A_39 = arith.constant 0 : i32
      %dma_wait3A_40 = tpu.memref_slice %arg5[%dma_wait3A_38, %dma_wait3A_39] : memref<128x128xf32, #tpu.memory_space<hbm>> -> memref<128x128xf32, #tpu.memory_space<hbm>>
      tpu.wait_dma2 semaphore(%run_scoped3A : memref<!tpu.dma_semaphore, #tpu.memory_space<semaphore_mem>>) src(%dma_wait3A_40 : memref<128x128xf32, #tpu.memory_space<hbm>>) dst(%dma_wait3A_37 : memref<128x128xf32, #tpu.memory_space<vmem_shared>>)
      tpu.yield
    }) : () -> ()
    %add3A_5 = arith.constant 128 : i32
    %add3A_6 = arith.addi %mul3A_2, %add3A_5 : i32
    "tpu.region"() ({
      %run_scoped3A = tpu.sem_alloc : memref<!tpu.dma_semaphore, #tpu.memory_space<semaphore_mem>>
      %dma_start3A = arith.constant 0 : i32
      %dma_start3A_33 = tpu.memref_slice %arg12[%add3A_6, %dma_start3A] : memref<10112x128xf32, #tpu.memory_space<vmem_shared>> -> memref<128x128xf32, #tpu.memory_space<vmem_shared>>
      %dma_start3A_34 = arith.constant 0 : i32
      %dma_start3A_35 = arith.constant 0 : i32
      %dma_start3A_36 = tpu.memref_slice %arg5[%dma_start3A_34, %dma_start3A_35] : memref<128x128xf32, #tpu.memory_space<hbm>> -> memref<128x128xf32, #tpu.memory_space<hbm>>
      tpu.enqueue_dma source(%dma_start3A_36 : memref<128x128xf32, #tpu.memory_space<hbm>>) target(%dma_start3A_33 : memref<128x128xf32, #tpu.memory_space<vmem_shared>>) target_semaphore(%run_scoped3A : memref<!tpu.dma_semaphore, #tpu.memory_space<semaphore_mem>>)
      %dma_wait3A = arith.constant 0 : i32
      %dma_wait3A_37 = tpu.memref_slice %arg12[%add3A_6, %dma_wait3A] : memref<10112x128xf32, #tpu.memory_space<vmem_shared>> -> memref<128x128xf32, #tpu.memory_space<vmem_shared>>
      %dma_wait3A_38 = arith.constant 0 : i32
      %dma_wait3A_39 = arith.constant 0 : i32
      %dma_wait3A_40 = tpu.memref_slice %arg5[%dma_wait3A_38, %dma_wait3A_39] : memref<128x128xf32, #tpu.memory_space<hbm>> -> memref<128x128xf32, #tpu.memory_space<hbm>>
      tpu.wait_dma2 semaphore(%run_scoped3A : memref<!tpu.dma_semaphore, #tpu.memory_space<semaphore_mem>>) src(%dma_wait3A_40 : memref<128x128xf32, #tpu.memory_space<hbm>>) dst(%dma_wait3A_37 : memref<128x128xf32, #tpu.memory_space<vmem_shared>>)
      tpu.yield
    }) : () -> ()
    %add3A_7 = arith.constant 256 : i32
    %add3A_8 = arith.addi %mul3A_2, %add3A_7 : i32
    "tpu.region"() ({
      %run_scoped3A = tpu.sem_alloc : memref<!tpu.dma_semaphore, #tpu.memory_space<semaphore_mem>>
      %dma_start3A = arith.constant 0 : i32
      %dma_start3A_33 = tpu.memref_slice %arg12[%add3A_8, %dma_start3A] : memref<10112x128xf32, #tpu.memory_space<vmem_shared>> -> memref<128x128xf32, #tpu.memory_space<vmem_shared>>
      %dma_start3A_34 = arith.constant 0 : i32
      %dma_start3A_35 = arith.constant 0 : i32
      %dma_start3A_36 = tpu.memref_slice %arg5[%dma_start3A_34, %dma_start3A_35] : memref<128x128xf32, #tpu.memory_space<hbm>> -> memref<128x128xf32, #tpu.memory_space<hbm>>
      tpu.enqueue_dma source(%dma_start3A_36 : memref<128x128xf32, #tpu.memory_space<hbm>>) target(%dma_start3A_33 : memref<128x128xf32, #tpu.memory_space<vmem_shared>>) target_semaphore(%run_scoped3A : memref<!tpu.dma_semaphore, #tpu.memory_space<semaphore_mem>>)
      %dma_wait3A = arith.constant 0 : i32
      %dma_wait3A_37 = tpu.memref_slice %arg12[%add3A_8, %dma_wait3A] : memref<10112x128xf32, #tpu.memory_space<vmem_shared>> -> memref<128x128xf32, #tpu.memory_space<vmem_shared>>
      %dma_wait3A_38 = arith.constant 0 : i32
      %dma_wait3A_39 = arith.constant 0 : i32
      %dma_wait3A_40 = tpu.memref_slice %arg5[%dma_wait3A_38, %dma_wait3A_39] : memref<128x128xf32, #tpu.memory_space<hbm>> -> memref<128x128xf32, #tpu.memory_space<hbm>>
      tpu.wait_dma2 semaphore(%run_scoped3A : memref<!tpu.dma_semaphore, #tpu.memory_space<semaphore_mem>>) src(%dma_wait3A_40 : memref<128x128xf32, #tpu.memory_space<hbm>>) dst(%dma_wait3A_37 : memref<128x128xf32, #tpu.memory_space<vmem_shared>>)
      tpu.yield
    }) : () -> ()
    %add3A_9 = arith.constant 384 : i32
    %add3A_10 = arith.addi %mul3A_2, %add3A_9 : i32
    "tpu.region"() ({
      %run_scoped3A = tpu.sem_alloc : memref<!tpu.dma_semaphore, #tpu.memory_space<semaphore_mem>>
      %dma_start3A = arith.constant 0 : i32
      %dma_start3A_33 = tpu.memref_slice %arg12[%add3A_10, %dma_start3A] : memref<10112x128xf32, #tpu.memory_space<vmem_shared>> -> memref<128x128xf32, #tpu.memory_space<vmem_shared>>
      %dma_start3A_34 = arith.constant 0 : i32
      %dma_start3A_35 = arith.constant 0 : i32
      %dma_start3A_36 = tpu.memref_slice %arg5[%dma_start3A_34, %dma_start3A_35] : memref<128x128xf32, #tpu.memory_space<hbm>> -> memref<128x128xf32, #tpu.memory_space<hbm>>
      tpu.enqueue_dma source(%dma_start3A_36 : memref<128x128xf32, #tpu.memory_space<hbm>>) target(%dma_start3A_33 : memref<128x128xf32, #tpu.memory_space<vmem_shared>>) target_semaphore(%run_scoped3A : memref<!tpu.dma_semaphore, #tpu.memory_space<semaphore_mem>>)
      %dma_wait3A = arith.constant 0 : i32
      %dma_wait3A_37 = tpu.memref_slice %arg12[%add3A_10, %dma_wait3A] : memref<10112x128xf32, #tpu.memory_space<vmem_shared>> -> memref<128x128xf32, #tpu.memory_space<vmem_shared>>
      %dma_wait3A_38 = arith.constant 0 : i32
      %dma_wait3A_39 = arith.constant 0 : i32
      %dma_wait3A_40 = tpu.memref_slice %arg5[%dma_wait3A_38, %dma_wait3A_39] : memref<128x128xf32, #tpu.memory_space<hbm>> -> memref<128x128xf32, #tpu.memory_space<hbm>>
      tpu.wait_dma2 semaphore(%run_scoped3A : memref<!tpu.dma_semaphore, #tpu.memory_space<semaphore_mem>>) src(%dma_wait3A_40 : memref<128x128xf32, #tpu.memory_space<hbm>>) dst(%dma_wait3A_37 : memref<128x128xf32, #tpu.memory_space<vmem_shared>>)
      tpu.yield
    }) : () -> ()
    %add3A_11 = arith.constant 512 : i32
    %add3A_12 = arith.addi %mul3A_2, %add3A_11 : i32
    "tpu.region"() ({
      %run_scoped3A = tpu.sem_alloc : memref<!tpu.dma_semaphore, #tpu.memory_space<semaphore_mem>>
      %dma_start3A = arith.constant 0 : i32
      %dma_start3A_33 = tpu.memref_slice %arg12[%add3A_12, %dma_start3A] : memref<10112x128xf32, #tpu.memory_space<vmem_shared>> -> memref<120x128xf32, #tpu.memory_space<vmem_shared>>
      %dma_start3A_34 = arith.constant 0 : i32
      %dma_start3A_35 = arith.constant 0 : i32
      %dma_start3A_36 = tpu.memref_slice %arg5[%dma_start3A_34, %dma_start3A_35] : memref<128x128xf32, #tpu.memory_space<hbm>> -> memref<120x128xf32, #tpu.memory_space<hbm>>
      tpu.enqueue_dma source(%dma_start3A_36 : memref<120x128xf32, #tpu.memory_space<hbm>>) target(%dma_start3A_33 : memref<120x128xf32, #tpu.memory_space<vmem_shared>>) target_semaphore(%run_scoped3A : memref<!tpu.dma_semaphore, #tpu.memory_space<semaphore_mem>>)
      %dma_wait3A = arith.constant 0 : i32
      %dma_wait3A_37 = tpu.memref_slice %arg12[%add3A_12, %dma_wait3A] : memref<10112x128xf32, #tpu.memory_space<vmem_shared>> -> memref<120x128xf32, #tpu.memory_space<vmem_shared>>
      %dma_wait3A_38 = arith.constant 0 : i32
      %dma_wait3A_39 = arith.constant 0 : i32
      %dma_wait3A_40 = tpu.memref_slice %arg5[%dma_wait3A_38, %dma_wait3A_39] : memref<128x128xf32, #tpu.memory_space<hbm>> -> memref<120x128xf32, #tpu.memory_space<hbm>>
      tpu.wait_dma2 semaphore(%run_scoped3A : memref<!tpu.dma_semaphore, #tpu.memory_space<semaphore_mem>>) src(%dma_wait3A_40 : memref<120x128xf32, #tpu.memory_space<hbm>>) dst(%dma_wait3A_37 : memref<120x128xf32, #tpu.memory_space<vmem_shared>>)
      tpu.yield
    }) : () -> ()
    %mul3A_13 = arith.constant 80 : i32
    %mul3A_14 = arith.muli %add3A, %mul3A_13 : i32
    "tpu.region"() ({
      %run_scoped3A = tpu.sem_alloc : memref<!tpu.dma_semaphore, #tpu.memory_space<semaphore_mem>>
      %dma_start3A = arith.constant 0 : i32
      %dma_start3A_33 = tpu.memref_slice %arg3[%mul3A_14, %dma_start3A] : memref<2560x128xi32, #tpu.memory_space<hbm>> -> memref<80x128xi32, #tpu.memory_space<hbm>>
      %dma_start3A_34 = arith.constant 0 : i32
      %dma_start3A_35 = tpu.memref_slice %arg3[%mul3A_14, %dma_start3A_34] : memref<2560x128xi32, #tpu.memory_space<hbm>> -> memref<80x128xi32, #tpu.memory_space<hbm>>
      tpu.enqueue_dma source(%dma_start3A_35 : memref<80x128xi32, #tpu.memory_space<hbm>>) target(%arg7 : memref<80x128xi32, #tpu.memory_space<vmem>>) target_semaphore(%run_scoped3A : memref<!tpu.dma_semaphore, #tpu.memory_space<semaphore_mem>>)
      %dma_wait3A = arith.constant 0 : i32
      %dma_wait3A_36 = tpu.memref_slice %arg3[%mul3A_14, %dma_wait3A] : memref<2560x128xi32, #tpu.memory_space<hbm>> -> memref<80x128xi32, #tpu.memory_space<hbm>>
      %dma_wait3A_37 = arith.constant 0 : i32
      %dma_wait3A_38 = tpu.memref_slice %arg3[%mul3A_14, %dma_wait3A_37] : memref<2560x128xi32, #tpu.memory_space<hbm>> -> memref<80x128xi32, #tpu.memory_space<hbm>>
      tpu.wait_dma2 semaphore(%run_scoped3A : memref<!tpu.dma_semaphore, #tpu.memory_space<semaphore_mem>>) src(%dma_wait3A_38 : memref<80x128xi32, #tpu.memory_space<hbm>>) dst(%arg7 : memref<80x128xi32, #tpu.memory_space<vmem>>)
      tpu.yield
    }) : () -> ()
    %barrier3A = arith.constant 0 : index
    tpu.barrier barrier_id(%barrier3A)
    %mul3A_15 = arith.constant 80 : i32
    %mul3A_16 = arith.muli %add3A, %mul3A_15 : i32
    %scan3A = arith.constant 0 : i32
    %scan3A_17 = arith.constant 0 : i32
    %scan3A_18 = arith.constant 40 : i32
    %scan3A_19 = arith.addi %scan3A_17, %scan3A_18 : i32
    %scan3A_20 = arith.constant 1 : i32
    scf.for %scan3A_33 = %scan3A_17 to %scan3A_19 step %scan3A_20  : i32 {
      %mul3A_34 = arith.constant 2 : i32
      %mul3A_35 = arith.muli %mul3A_34, %scan3A_33 : i32
      %dma_start3A = arith.constant 0 : i32
      %dma_start3A_36 = tpu.memref_slice %arg7[%mul3A_35, %dma_start3A] : memref<80x128xi32, #tpu.memory_space<vmem>> -> memref<1x128xi32, #tpu.memory_space<vmem>>
      %dma_start3A_37 = tpu.memref_squeeze %dma_start3A_36 : memref<1x128xi32, #tpu.memory_space<vmem>> -> memref<128xi32, #tpu.memory_space<vmem>>
      %dma_start3A_38 = arith.constant 0 : i32
      %dma_start3A_39 = arith.constant 0 : i32
      %dma_start3A_40 = tpu.memref_slice %arg2[%dma_start3A_38, %dma_start3A_39] : memref<10112x128xf32, #tpu.memory_space<hbm>> -> memref<10112x128xf32, #tpu.memory_space<hbm>>
      tpu.enqueue_indirect_dma source(%dma_start3A_40 : memref<10112x128xf32, #tpu.memory_space<hbm>>) target(%arg10 : memref<128x128xf32, #tpu.memory_space<vmem>>) offsets(%dma_start3A_37 : memref<128xi32, #tpu.memory_space<vmem>>) semaphore(%arg13 : memref<!tpu.dma_semaphore, #tpu.memory_space<semaphore_mem>>)
      %add3A_41 = arith.constant 1 : i32
      %add3A_42 = arith.addi %mul3A_35, %add3A_41 : i32
      %dma_start3A_43 = arith.constant 0 : i32
      %dma_start3A_44 = tpu.memref_slice %arg7[%add3A_42, %dma_start3A_43] : memref<80x128xi32, #tpu.memory_space<vmem>> -> memref<1x128xi32, #tpu.memory_space<vmem>>
      %dma_start3A_45 = tpu.memref_squeeze %dma_start3A_44 : memref<1x128xi32, #tpu.memory_space<vmem>> -> memref<128xi32, #tpu.memory_space<vmem>>
      %dma_start3A_46 = arith.constant 0 : i32
      %dma_start3A_47 = arith.constant 0 : i32
      %dma_start3A_48 = tpu.memref_slice %arg2[%dma_start3A_46, %dma_start3A_47] : memref<10112x128xf32, #tpu.memory_space<hbm>> -> memref<10112x128xf32, #tpu.memory_space<hbm>>
      tpu.enqueue_indirect_dma source(%dma_start3A_48 : memref<10112x128xf32, #tpu.memory_space<hbm>>) target(%arg11 : memref<128x128xf32, #tpu.memory_space<vmem>>) offsets(%dma_start3A_45 : memref<128xi32, #tpu.memory_space<vmem>>) semaphore(%arg14 : memref<!tpu.dma_semaphore, #tpu.memory_space<semaphore_mem>>)
      %add3A_49 = arith.addi %mul3A_16, %mul3A_35 : i32
      "tpu.region"() ({
        %run_scoped3A = tpu.sem_alloc : memref<!tpu.dma_semaphore, #tpu.memory_space<semaphore_mem>>
        %dma_start3A_64 = arith.constant 0 : i32
        %dma_start3A_65 = tpu.memref_slice %arg4[%add3A_49, %dma_start3A_64] : memref<2560x128xi32, #tpu.memory_space<hbm>> -> memref<1x128xi32, #tpu.memory_space<hbm>>
        %dma_start3A_66 = tpu.memref_squeeze %dma_start3A_65 : memref<1x128xi32, #tpu.memory_space<hbm>> -> memref<128xi32, #tpu.memory_space<hbm>>
        %dma_start3A_67 = arith.constant 0 : i32
        %dma_start3A_68 = tpu.memref_slice %arg4[%add3A_49, %dma_start3A_67] : memref<2560x128xi32, #tpu.memory_space<hbm>> -> memref<1x128xi32, #tpu.memory_space<hbm>>
        %dma_start3A_69 = tpu.memref_squeeze %dma_start3A_68 : memref<1x128xi32, #tpu.memory_space<hbm>> -> memref<128xi32, #tpu.memory_space<hbm>>
        tpu.enqueue_dma source(%dma_start3A_69 : memref<128xi32, #tpu.memory_space<hbm>>) target(%arg8 : memref<128xi32, #tpu.memory_space<vmem>>) target_semaphore(%run_scoped3A : memref<!tpu.dma_semaphore, #tpu.memory_space<semaphore_mem>>)
        %dma_wait3A_70 = arith.constant 0 : i32
        %dma_wait3A_71 = tpu.memref_slice %arg4[%add3A_49, %dma_wait3A_70] : memref<2560x128xi32, #tpu.memory_space<hbm>> -> memref<1x128xi32, #tpu.memory_space<hbm>>
        %dma_wait3A_72 = tpu.memref_squeeze %dma_wait3A_71 : memref<1x128xi32, #tpu.memory_space<hbm>> -> memref<128xi32, #tpu.memory_space<hbm>>
        %dma_wait3A_73 = arith.constant 0 : i32
        %dma_wait3A_74 = tpu.memref_slice %arg4[%add3A_49, %dma_wait3A_73] : memref<2560x128xi32, #tpu.memory_space<hbm>> -> memref<1x128xi32, #tpu.memory_space<hbm>>
        %dma_wait3A_75 = tpu.memref_squeeze %dma_wait3A_74 : memref<1x128xi32, #tpu.memory_space<hbm>> -> memref<128xi32, #tpu.memory_space<hbm>>
        tpu.wait_dma2 semaphore(%run_scoped3A : memref<!tpu.dma_semaphore, #tpu.memory_space<semaphore_mem>>) src(%dma_wait3A_75 : memref<128xi32, #tpu.memory_space<hbm>>) dst(%arg8 : memref<128xi32, #tpu.memory_space<vmem>>)
        tpu.yield
      }) : () -> ()
      %add3A_50 = arith.addi %mul3A_16, %mul3A_35 : i32
      %add3A_51 = arith.constant 1 : i32
      %add3A_52 = arith.addi %add3A_50, %add3A_51 : i32
      "tpu.region"() ({
        %run_scoped3A = tpu.sem_alloc : memref<!tpu.dma_semaphore, #tpu.memory_space<semaphore_mem>>
        %dma_start3A_64 = arith.constant 0 : i32
        %dma_start3A_65 = tpu.memref_slice %arg4[%add3A_52, %dma_start3A_64] : memref<2560x128xi32, #tpu.memory_space<hbm>> -> memref<1x128xi32, #tpu.memory_space<hbm>>
        %dma_start3A_66 = tpu.memref_squeeze %dma_start3A_65 : memref<1x128xi32, #tpu.memory_space<hbm>> -> memref<128xi32, #tpu.memory_space<hbm>>
        %dma_start3A_67 = arith.constant 0 : i32
        %dma_start3A_68 = tpu.memref_slice %arg4[%add3A_52, %dma_start3A_67] : memref<2560x128xi32, #tpu.memory_space<hbm>> -> memref<1x128xi32, #tpu.memory_space<hbm>>
        %dma_start3A_69 = tpu.memref_squeeze %dma_start3A_68 : memref<1x128xi32, #tpu.memory_space<hbm>> -> memref<128xi32, #tpu.memory_space<hbm>>
        tpu.enqueue_dma source(%dma_start3A_69 : memref<128xi32, #tpu.memory_space<hbm>>) target(%arg9 : memref<128xi32, #tpu.memory_space<vmem>>) target_semaphore(%run_scoped3A : memref<!tpu.dma_semaphore, #tpu.memory_space<semaphore_mem>>)
        %dma_wait3A_70 = arith.constant 0 : i32
        %dma_wait3A_71 = tpu.memref_slice %arg4[%add3A_52, %dma_wait3A_70] : memref<2560x128xi32, #tpu.memory_space<hbm>> -> memref<1x128xi32, #tpu.memory_space<hbm>>
        %dma_wait3A_72 = tpu.memref_squeeze %dma_wait3A_71 : memref<1x128xi32, #tpu.memory_space<hbm>> -> memref<128xi32, #tpu.memory_space<hbm>>
        %dma_wait3A_73 = arith.constant 0 : i32
        %dma_wait3A_74 = tpu.memref_slice %arg4[%add3A_52, %dma_wait3A_73] : memref<2560x128xi32, #tpu.memory_space<hbm>> -> memref<1x128xi32, #tpu.memory_space<hbm>>
        %dma_wait3A_75 = tpu.memref_squeeze %dma_wait3A_74 : memref<1x128xi32, #tpu.memory_space<hbm>> -> memref<128xi32, #tpu.memory_space<hbm>>
        tpu.wait_dma2 semaphore(%run_scoped3A : memref<!tpu.dma_semaphore, #tpu.memory_space<semaphore_mem>>) src(%dma_wait3A_75 : memref<128xi32, #tpu.memory_space<hbm>>) dst(%arg9 : memref<128xi32, #tpu.memory_space<vmem>>)
        tpu.yield
      }) : () -> ()
      %dma_wait3A = arith.constant 0 : i32
      %dma_wait3A_53 = tpu.memref_slice %arg7[%mul3A_35, %dma_wait3A] : memref<80x128xi32, #tpu.memory_space<vmem>> -> memref<1x128xi32, #tpu.memory_space<vmem>>
      %dma_wait3A_54 = tpu.memref_squeeze %dma_wait3A_53 : memref<1x128xi32, #tpu.memory_space<vmem>> -> memref<128xi32, #tpu.memory_space<vmem>>
      %dma_wait3A_55 = arith.constant 0 : i32
      %dma_wait3A_56 = arith.constant 0 : i32
      %dma_wait3A_57 = tpu.memref_slice %arg2[%dma_wait3A_55, %dma_wait3A_56] : memref<10112x128xf32, #tpu.memory_space<hbm>> -> memref<10112x128xf32, #tpu.memory_space<hbm>>
      tpu.wait_indirect_dma semaphore(%arg13 : memref<!tpu.dma_semaphore, #tpu.memory_space<semaphore_mem>>) src(%dma_wait3A_57 : memref<10112x128xf32, #tpu.memory_space<hbm>>) dst(%arg10 : memref<128x128xf32, #tpu.memory_space<vmem>>)
      "tpu.region"() ({
        %run_scoped3A = tpu.sem_alloc : memref<!tpu.dma_semaphore, #tpu.memory_space<semaphore_mem>>
        %dma_start3A_64 = arith.constant 0 : i32
        %dma_start3A_65 = arith.constant 0 : i32
        %dma_start3A_66 = tpu.memref_slice %arg12[%dma_start3A_64, %dma_start3A_65] : memref<10112x128xf32, #tpu.memory_space<vmem_shared>> -> memref<10112x128xf32, #tpu.memory_space<vmem_shared>>
        tpu.enqueue_indirect_dma source(%arg10 : memref<128x128xf32, #tpu.memory_space<vmem>>) target(%dma_start3A_66 : memref<10112x128xf32, #tpu.memory_space<vmem_shared>>) offsets(%arg8 : memref<128xi32, #tpu.memory_space<vmem>>) semaphore(%run_scoped3A : memref<!tpu.dma_semaphore, #tpu.memory_space<semaphore_mem>>) {add = true}
        %dma_wait3A_67 = arith.constant 0 : i32
        %dma_wait3A_68 = arith.constant 0 : i32
        %dma_wait3A_69 = tpu.memref_slice %arg12[%dma_wait3A_67, %dma_wait3A_68] : memref<10112x128xf32, #tpu.memory_space<vmem_shared>> -> memref<10112x128xf32, #tpu.memory_space<vmem_shared>>
        tpu.wait_indirect_dma semaphore(%run_scoped3A : memref<!tpu.dma_semaphore, #tpu.memory_space<semaphore_mem>>) src(%arg10 : memref<128x128xf32, #tpu.memory_space<vmem>>) dst(%dma_wait3A_69 : memref<10112x128xf32, #tpu.memory_space<vmem_shared>>)
        tpu.yield
      }) : () -> ()
      %dma_wait3A_58 = arith.constant 0 : i32
      %dma_wait3A_59 = tpu.memref_slice %arg7[%add3A_42, %dma_wait3A_58] : memref<80x128xi32, #tpu.memory_space<vmem>> -> memref<1x128xi32, #tpu.memory_space<vmem>>
      %dma_wait3A_60 = tpu.memref_squeeze %dma_wait3A_59 : memref<1x128xi32, #tpu.memory_space<vmem>> -> memref<128xi32, #tpu.memory_space<vmem>>
      %dma_wait3A_61 = arith.constant 0 : i32
      %dma_wait3A_62 = arith.constant 0 : i32
      %dma_wait3A_63 = tpu.memref_slice %arg2[%dma_wait3A_61, %dma_wait3A_62] : memref<10112x128xf32, #tpu.memory_space<hbm>> -> memref<10112x128xf32, #tpu.memory_space<hbm>>
      tpu.wait_indirect_dma semaphore(%arg14 : memref<!tpu.dma_semaphore, #tpu.memory_space<semaphore_mem>>) src(%dma_wait3A_63 : memref<10112x128xf32, #tpu.memory_space<hbm>>) dst(%arg11 : memref<128x128xf32, #tpu.memory_space<vmem>>)
      "tpu.region"() ({
        %run_scoped3A = tpu.sem_alloc : memref<!tpu.dma_semaphore, #tpu.memory_space<semaphore_mem>>
        %dma_start3A_64 = arith.constant 0 : i32
        %dma_start3A_65 = arith.constant 0 : i32
        %dma_start3A_66 = tpu.memref_slice %arg12[%dma_start3A_64, %dma_start3A_65] : memref<10112x128xf32, #tpu.memory_space<vmem_shared>> -> memref<10112x128xf32, #tpu.memory_space<vmem_shared>>
        tpu.enqueue_indirect_dma source(%arg11 : memref<128x128xf32, #tpu.memory_space<vmem>>) target(%dma_start3A_66 : memref<10112x128xf32, #tpu.memory_space<vmem_shared>>) offsets(%arg9 : memref<128xi32, #tpu.memory_space<vmem>>) semaphore(%run_scoped3A : memref<!tpu.dma_semaphore, #tpu.memory_space<semaphore_mem>>) {add = true}
        %dma_wait3A_67 = arith.constant 0 : i32
        %dma_wait3A_68 = arith.constant 0 : i32
        %dma_wait3A_69 = tpu.memref_slice %arg12[%dma_wait3A_67, %dma_wait3A_68] : memref<10112x128xf32, #tpu.memory_space<vmem_shared>> -> memref<10112x128xf32, #tpu.memory_space<vmem_shared>>
        tpu.wait_indirect_dma semaphore(%run_scoped3A : memref<!tpu.dma_semaphore, #tpu.memory_space<semaphore_mem>>) src(%arg11 : memref<128x128xf32, #tpu.memory_space<vmem>>) dst(%dma_wait3A_69 : memref<10112x128xf32, #tpu.memory_space<vmem_shared>>)
        tpu.yield
      }) : () -> ()
    }
    %scan3A_21 = arith.constant 40 : i32
    %barrier3A_22 = arith.constant 0 : index
    tpu.barrier barrier_id(%barrier3A_22)
    %add3A_23 = arith.constant 0 : i32
    %add3A_24 = arith.addi %mul3A_2, %add3A_23 : i32
    "tpu.region"() ({
      %run_scoped3A = tpu.sem_alloc : memref<!tpu.dma_semaphore, #tpu.memory_space<semaphore_mem>>
      %dma_start3A = arith.constant 0 : i32
      %dma_start3A_33 = tpu.memref_slice %arg6[%arg0, %add3A_24, %dma_start3A] : memref<2x10112x128xf32, #tpu.memory_space<hbm>> -> memref<1x128x128xf32, #tpu.memory_space<hbm>>
      %dma_start3A_34 = tpu.memref_squeeze %dma_start3A_33 : memref<1x128x128xf32, #tpu.memory_space<hbm>> -> memref<128x128xf32, #tpu.memory_space<hbm>>
      %dma_start3A_35 = arith.constant 0 : i32
      %dma_start3A_36 = tpu.memref_slice %arg12[%add3A_24, %dma_start3A_35] : memref<10112x128xf32, #tpu.memory_space<vmem_shared>> -> memref<128x128xf32, #tpu.memory_space<vmem_shared>>
      tpu.enqueue_dma source(%dma_start3A_36 : memref<128x128xf32, #tpu.memory_space<vmem_shared>>) target(%dma_start3A_34 : memref<128x128xf32, #tpu.memory_space<hbm>>) target_semaphore(%run_scoped3A : memref<!tpu.dma_semaphore, #tpu.memory_space<semaphore_mem>>)
      %dma_wait3A = arith.constant 0 : i32
      %dma_wait3A_37 = tpu.memref_slice %arg6[%arg0, %add3A_24, %dma_wait3A] : memref<2x10112x128xf32, #tpu.memory_space<hbm>> -> memref<1x128x128xf32, #tpu.memory_space<hbm>>
      %dma_wait3A_38 = tpu.memref_squeeze %dma_wait3A_37 : memref<1x128x128xf32, #tpu.memory_space<hbm>> -> memref<128x128xf32, #tpu.memory_space<hbm>>
      %dma_wait3A_39 = arith.constant 0 : i32
      %dma_wait3A_40 = tpu.memref_slice %arg12[%add3A_24, %dma_wait3A_39] : memref<10112x128xf32, #tpu.memory_space<vmem_shared>> -> memref<128x128xf32, #tpu.memory_space<vmem_shared>>
      tpu.wait_dma2 semaphore(%run_scoped3A : memref<!tpu.dma_semaphore, #tpu.memory_space<semaphore_mem>>) src(%dma_wait3A_40 : memref<128x128xf32, #tpu.memory_space<vmem_shared>>) dst(%dma_wait3A_38 : memref<128x128xf32, #tpu.memory_space<hbm>>)
      tpu.yield
    }) : () -> ()
    %add3A_25 = arith.constant 128 : i32
    %add3A_26 = arith.addi %mul3A_2, %add3A_25 : i32
    "tpu.region"() ({
      %run_scoped3A = tpu.sem_alloc : memref<!tpu.dma_semaphore, #tpu.memory_space<semaphore_mem>>
      %dma_start3A = arith.constant 0 : i32
      %dma_start3A_33 = tpu.memref_slice %arg6[%arg0, %add3A_26, %dma_start3A] : memref<2x10112x128xf32, #tpu.memory_space<hbm>> -> memref<1x128x128xf32, #tpu.memory_space<hbm>>
      %dma_start3A_34 = tpu.memref_squeeze %dma_start3A_33 : memref<1x128x128xf32, #tpu.memory_space<hbm>> -> memref<128x128xf32, #tpu.memory_space<hbm>>
      %dma_start3A_35 = arith.constant 0 : i32
      %dma_start3A_36 = tpu.memref_slice %arg12[%add3A_26, %dma_start3A_35] : memref<10112x128xf32, #tpu.memory_space<vmem_shared>> -> memref<128x128xf32, #tpu.memory_space<vmem_shared>>
      tpu.enqueue_dma source(%dma_start3A_36 : memref<128x128xf32, #tpu.memory_space<vmem_shared>>) target(%dma_start3A_34 : memref<128x128xf32, #tpu.memory_space<hbm>>) target_semaphore(%run_scoped3A : memref<!tpu.dma_semaphore, #tpu.memory_space<semaphore_mem>>)
      %dma_wait3A = arith.constant 0 : i32
      %dma_wait3A_37 = tpu.memref_slice %arg6[%arg0, %add3A_26, %dma_wait3A] : memref<2x10112x128xf32, #tpu.memory_space<hbm>> -> memref<1x128x128xf32, #tpu.memory_space<hbm>>
      %dma_wait3A_38 = tpu.memref_squeeze %dma_wait3A_37 : memref<1x128x128xf32, #tpu.memory_space<hbm>> -> memref<128x128xf32, #tpu.memory_space<hbm>>
      %dma_wait3A_39 = arith.constant 0 : i32
      %dma_wait3A_40 = tpu.memref_slice %arg12[%add3A_26, %dma_wait3A_39] : memref<10112x128xf32, #tpu.memory_space<vmem_shared>> -> memref<128x128xf32, #tpu.memory_space<vmem_shared>>
      tpu.wait_dma2 semaphore(%run_scoped3A : memref<!tpu.dma_semaphore, #tpu.memory_space<semaphore_mem>>) src(%dma_wait3A_40 : memref<128x128xf32, #tpu.memory_space<vmem_shared>>) dst(%dma_wait3A_38 : memref<128x128xf32, #tpu.memory_space<hbm>>)
      tpu.yield
    }) : () -> ()
    %add3A_27 = arith.constant 256 : i32
    %add3A_28 = arith.addi %mul3A_2, %add3A_27 : i32
    "tpu.region"() ({
      %run_scoped3A = tpu.sem_alloc : memref<!tpu.dma_semaphore, #tpu.memory_space<semaphore_mem>>
      %dma_start3A = arith.constant 0 : i32
      %dma_start3A_33 = tpu.memref_slice %arg6[%arg0, %add3A_28, %dma_start3A] : memref<2x10112x128xf32, #tpu.memory_space<hbm>> -> memref<1x128x128xf32, #tpu.memory_space<hbm>>
      %dma_start3A_34 = tpu.memref_squeeze %dma_start3A_33 : memref<1x128x128xf32, #tpu.memory_space<hbm>> -> memref<128x128xf32, #tpu.memory_space<hbm>>
      %dma_start3A_35 = arith.constant 0 : i32
      %dma_start3A_36 = tpu.memref_slice %arg12[%add3A_28, %dma_start3A_35] : memref<10112x128xf32, #tpu.memory_space<vmem_shared>> -> memref<128x128xf32, #tpu.memory_space<vmem_shared>>
      tpu.enqueue_dma source(%dma_start3A_36 : memref<128x128xf32, #tpu.memory_space<vmem_shared>>) target(%dma_start3A_34 : memref<128x128xf32, #tpu.memory_space<hbm>>) target_semaphore(%run_scoped3A : memref<!tpu.dma_semaphore, #tpu.memory_space<semaphore_mem>>)
      %dma_wait3A = arith.constant 0 : i32
      %dma_wait3A_37 = tpu.memref_slice %arg6[%arg0, %add3A_28, %dma_wait3A] : memref<2x10112x128xf32, #tpu.memory_space<hbm>> -> memref<1x128x128xf32, #tpu.memory_space<hbm>>
      %dma_wait3A_38 = tpu.memref_squeeze %dma_wait3A_37 : memref<1x128x128xf32, #tpu.memory_space<hbm>> -> memref<128x128xf32, #tpu.memory_space<hbm>>
      %dma_wait3A_39 = arith.constant 0 : i32
      %dma_wait3A_40 = tpu.memref_slice %arg12[%add3A_28, %dma_wait3A_39] : memref<10112x128xf32, #tpu.memory_space<vmem_shared>> -> memref<128x128xf32, #tpu.memory_space<vmem_shared>>
      tpu.wait_dma2 semaphore(%run_scoped3A : memref<!tpu.dma_semaphore, #tpu.memory_space<semaphore_mem>>) src(%dma_wait3A_40 : memref<128x128xf32, #tpu.memory_space<vmem_shared>>) dst(%dma_wait3A_38 : memref<128x128xf32, #tpu.memory_space<hbm>>)
      tpu.yield
    }) : () -> ()
    %add3A_29 = arith.constant 384 : i32
    %add3A_30 = arith.addi %mul3A_2, %add3A_29 : i32
    "tpu.region"() ({
      %run_scoped3A = tpu.sem_alloc : memref<!tpu.dma_semaphore, #tpu.memory_space<semaphore_mem>>
      %dma_start3A = arith.constant 0 : i32
      %dma_start3A_33 = tpu.memref_slice %arg6[%arg0, %add3A_30, %dma_start3A] : memref<2x10112x128xf32, #tpu.memory_space<hbm>> -> memref<1x128x128xf32, #tpu.memory_space<hbm>>
      %dma_start3A_34 = tpu.memref_squeeze %dma_start3A_33 : memref<1x128x128xf32, #tpu.memory_space<hbm>> -> memref<128x128xf32, #tpu.memory_space<hbm>>
      %dma_start3A_35 = arith.constant 0 : i32
      %dma_start3A_36 = tpu.memref_slice %arg12[%add3A_30, %dma_start3A_35] : memref<10112x128xf32, #tpu.memory_space<vmem_shared>> -> memref<128x128xf32, #tpu.memory_space<vmem_shared>>
      tpu.enqueue_dma source(%dma_start3A_36 : memref<128x128xf32, #tpu.memory_space<vmem_shared>>) target(%dma_start3A_34 : memref<128x128xf32, #tpu.memory_space<hbm>>) target_semaphore(%run_scoped3A : memref<!tpu.dma_semaphore, #tpu.memory_space<semaphore_mem>>)
      %dma_wait3A = arith.constant 0 : i32
      %dma_wait3A_37 = tpu.memref_slice %arg6[%arg0, %add3A_30, %dma_wait3A] : memref<2x10112x128xf32, #tpu.memory_space<hbm>> -> memref<1x128x128xf32, #tpu.memory_space<hbm>>
      %dma_wait3A_38 = tpu.memref_squeeze %dma_wait3A_37 : memref<1x128x128xf32, #tpu.memory_space<hbm>> -> memref<128x128xf32, #tpu.memory_space<hbm>>
      %dma_wait3A_39 = arith.constant 0 : i32
      %dma_wait3A_40 = tpu.memref_slice %arg12[%add3A_30, %dma_wait3A_39] : memref<10112x128xf32, #tpu.memory_space<vmem_shared>> -> memref<128x128xf32, #tpu.memory_space<vmem_shared>>
      tpu.wait_dma2 semaphore(%run_scoped3A : memref<!tpu.dma_semaphore, #tpu.memory_space<semaphore_mem>>) src(%dma_wait3A_40 : memref<128x128xf32, #tpu.memory_space<vmem_shared>>) dst(%dma_wait3A_38 : memref<128x128xf32, #tpu.memory_space<hbm>>)
      tpu.yield
    }) : () -> ()
    %add3A_31 = arith.constant 512 : i32
    %add3A_32 = arith.addi %mul3A_2, %add3A_31 : i32
    "tpu.region"() ({
      %run_scoped3A = tpu.sem_alloc : memref<!tpu.dma_semaphore, #tpu.memory_space<semaphore_mem>>
      %dma_start3A = arith.constant 0 : i32
      %dma_start3A_33 = tpu.memref_slice %arg6[%arg0, %add3A_32, %dma_start3A] : memref<2x10112x128xf32, #tpu.memory_space<hbm>> -> memref<1x120x128xf32, #tpu.memory_space<hbm>>
      %dma_start3A_34 = tpu.memref_squeeze %dma_start3A_33 : memref<1x120x128xf32, #tpu.memory_space<hbm>> -> memref<120x128xf32, #tpu.memory_space<hbm>>
      %dma_start3A_35 = arith.constant 0 : i32
      %dma_start3A_36 = tpu.memref_slice %arg12[%add3A_32, %dma_start3A_35] : memref<10112x128xf32, #tpu.memory_space<vmem_shared>> -> memref<120x128xf32, #tpu.memory_space<vmem_shared>>
      tpu.enqueue_dma source(%dma_start3A_36 : memref<120x128xf32, #tpu.memory_space<vmem_shared>>) target(%dma_start3A_34 : memref<120x128xf32, #tpu.memory_space<hbm>>) target_semaphore(%run_scoped3A : memref<!tpu.dma_semaphore, #tpu.memory_space<semaphore_mem>>)
      %dma_wait3A = arith.constant 0 : i32
      %dma_wait3A_37 = tpu.memref_slice %arg6[%arg0, %add3A_32, %dma_wait3A] : memref<2x10112x128xf32, #tpu.memory_space<hbm>> -> memref<1x120x128xf32, #tpu.memory_space<hbm>>
      %dma_wait3A_38 = tpu.memref_squeeze %dma_wait3A_37 : memref<1x120x128xf32, #tpu.memory_space<hbm>> -> memref<120x128xf32, #tpu.memory_space<hbm>>
      %dma_wait3A_39 = arith.constant 0 : i32
      %dma_wait3A_40 = tpu.memref_slice %arg12[%add3A_32, %dma_wait3A_39] : memref<10112x128xf32, #tpu.memory_space<vmem_shared>> -> memref<120x128xf32, #tpu.memory_space<vmem_shared>>
      tpu.wait_dma2 semaphore(%run_scoped3A : memref<!tpu.dma_semaphore, #tpu.memory_space<semaphore_mem>>) src(%dma_wait3A_40 : memref<120x128xf32, #tpu.memory_space<vmem_shared>>) dst(%dma_wait3A_38 : memref<120x128xf32, #tpu.memory_space<hbm>>)
      tpu.yield
    }) : () -> ()
    return
  }
}

#map = affine_map<(d0, d1) -> (0, 0)>
#map1 = affine_map<(d0, d1) -> (0, 0, 0)>
module attributes {stable_mosaic.version = 14 : i64} {
  func.func @_scat_kernel(%arg0: i32, %arg1: i32, %arg2: memref<10112x128xf32, #tpu.memory_space<hbm>>, %arg3: memref<2560x128xi32, #tpu.memory_space<hbm>>, %arg4: memref<2560x128xi32, #tpu.memory_space<hbm>>, %arg5: memref<128x128xf32, #tpu.memory_space<hbm>>, %arg6: memref<2x10112x128xf32, #tpu.memory_space<hbm>>, %arg7: memref<80x128xi32, #tpu.memory_space<vmem>>, %arg8: memref<128xi32, #tpu.memory_space<vmem>>, %arg9: memref<128xi32, #tpu.memory_space<vmem>>, %arg10: memref<128x128xf32, #tpu.memory_space<vmem>>, %arg11: memref<128x128xf32, #tpu.memory_space<vmem>>, %arg12: memref<10112x128xf32, #tpu.memory_space<vmem_shared>>, %arg13: memref<!tpu.dma_semaphore, #tpu.memory_space<semaphore_mem>>, %arg14: memref<!tpu.dma_semaphore, #tpu.memory_space<semaphore_mem>>, %arg15: memref<!tpu.dma_semaphore, #tpu.memory_space<semaphore_mem>>, %arg16: memref<!tpu.dma_semaphore, #tpu.memory_space<semaphore_mem>>) attributes {dimension_semantics = [#tpu.dimension_semantics<core_parallel>, #tpu.dimension_semantics<subcore_parallel>], iteration_bounds = array<i64: 2, 16>, scalar_prefetch = 0 : i64, scratch_operands = 10 : i64, tpu.core_type = #tpu.core_type<sc_vector_subcore>, window_params = [{transform_indices = #map}, {transform_indices = #map}, {transform_indices = #map}, {transform_indices = #map}, {transform_indices = #map1}]} {
    %mul3A = arith.constant 2 : i32
    %mul3A_0 = arith.muli %arg1, %mul3A : i32
    %add3A = arith.addi %mul3A_0, %arg0 : i32
    %mul3A_1 = arith.constant 632 : i32
    %mul3A_2 = arith.muli %arg1, %mul3A_1 : i32
    %add3A_3 = arith.constant 0 : i32
    %add3A_4 = arith.addi %mul3A_2, %add3A_3 : i32
    "tpu.region"() ({
      %run_scoped3A = tpu.sem_alloc : memref<!tpu.dma_semaphore, #tpu.memory_space<semaphore_mem>>
      %dma_start3A = arith.constant 0 : i32
      %dma_start3A_33 = tpu.memref_slice %arg12[%add3A_4, %dma_start3A] : memref<10112x128xf32, #tpu.memory_space<vmem_shared>> -> memref<128x128xf32, #tpu.memory_space<vmem_shared>>
      %dma_start3A_34 = arith.constant 0 : i32
      %dma_start3A_35 = arith.constant 0 : i32
      %dma_start3A_36 = tpu.memref_slice %arg5[%dma_start3A_34, %dma_start3A_35] : memref<128x128xf32, #tpu.memory_space<hbm>> -> memref<128x128xf32, #tpu.memory_space<hbm>>
      tpu.enqueue_dma source(%dma_start3A_36 : memref<128x128xf32, #tpu.memory_space<hbm>>) target(%dma_start3A_33 : memref<128x128xf32, #tpu.memory_space<vmem_shared>>) target_semaphore(%run_scoped3A : memref<!tpu.dma_semaphore, #tpu.memory_space<semaphore_mem>>)
      %dma_wait3A = arith.constant 0 : i32
      %dma_wait3A_37 = tpu.memref_slice %arg12[%add3A_4, %dma_wait3A] : memref<10112x128xf32, #tpu.memory_space<vmem_shared>> -> memref<128x128xf32, #tpu.memory_space<vmem_shared>>
      %dma_wait3A_38 = arith.constant 0 : i32
      %dma_wait3A_39 = arith.constant 0 : i32
      %dma_wait3A_40 = tpu.memref_slice %arg5[%dma_wait3A_38, %dma_wait3A_39] : memref<128x128xf32, #tpu.memory_space<hbm>> -> memref<128x128xf32, #tpu.memory_space<hbm>>
      tpu.wait_dma2 semaphore(%run_scoped3A : memref<!tpu.dma_semaphore, #tpu.memory_space<semaphore_mem>>) src(%dma_wait3A_40 : memref<128x128xf32, #tpu.memory_space<hbm>>) dst(%dma_wait3A_37 : memref<128x128xf32, #tpu.memory_space<vmem_shared>>)
      tpu.yield
    }) : () -> ()
    %add3A_5 = arith.constant 128 : i32
    %add3A_6 = arith.addi %mul3A_2, %add3A_5 : i32
    "tpu.region"() ({
      %run_scoped3A = tpu.sem_alloc : memref<!tpu.dma_semaphore, #tpu.memory_space<semaphore_mem>>
      %dma_start3A = arith.constant 0 : i32
      %dma_start3A_33 = tpu.memref_slice %arg12[%add3A_6, %dma_start3A] : memref<10112x128xf32, #tpu.memory_space<vmem_shared>> -> memref<128x128xf32, #tpu.memory_space<vmem_shared>>
      %dma_start3A_34 = arith.constant 0 : i32
      %dma_start3A_35 = arith.constant 0 : i32
      %dma_start3A_36 = tpu.memref_slice %arg5[%dma_start3A_34, %dma_start3A_35] : memref<128x128xf32, #tpu.memory_space<hbm>> -> memref<128x128xf32, #tpu.memory_space<hbm>>
      tpu.enqueue_dma source(%dma_start3A_36 : memref<128x128xf32, #tpu.memory_space<hbm>>) target(%dma_start3A_33 : memref<128x128xf32, #tpu.memory_space<vmem_shared>>) target_semaphore(%run_scoped3A : memref<!tpu.dma_semaphore, #tpu.memory_space<semaphore_mem>>)
      %dma_wait3A = arith.constant 0 : i32
      %dma_wait3A_37 = tpu.memref_slice %arg12[%add3A_6, %dma_wait3A] : memref<10112x128xf32, #tpu.memory_space<vmem_shared>> -> memref<128x128xf32, #tpu.memory_space<vmem_shared>>
      %dma_wait3A_38 = arith.constant 0 : i32
      %dma_wait3A_39 = arith.constant 0 : i32
      %dma_wait3A_40 = tpu.memref_slice %arg5[%dma_wait3A_38, %dma_wait3A_39] : memref<128x128xf32, #tpu.memory_space<hbm>> -> memref<128x128xf32, #tpu.memory_space<hbm>>
      tpu.wait_dma2 semaphore(%run_scoped3A : memref<!tpu.dma_semaphore, #tpu.memory_space<semaphore_mem>>) src(%dma_wait3A_40 : memref<128x128xf32, #tpu.memory_space<hbm>>) dst(%dma_wait3A_37 : memref<128x128xf32, #tpu.memory_space<vmem_shared>>)
      tpu.yield
    }) : () -> ()
    %add3A_7 = arith.constant 256 : i32
    %add3A_8 = arith.addi %mul3A_2, %add3A_7 : i32
    "tpu.region"() ({
      %run_scoped3A = tpu.sem_alloc : memref<!tpu.dma_semaphore, #tpu.memory_space<semaphore_mem>>
      %dma_start3A = arith.constant 0 : i32
      %dma_start3A_33 = tpu.memref_slice %arg12[%add3A_8, %dma_start3A] : memref<10112x128xf32, #tpu.memory_space<vmem_shared>> -> memref<128x128xf32, #tpu.memory_space<vmem_shared>>
      %dma_start3A_34 = arith.constant 0 : i32
      %dma_start3A_35 = arith.constant 0 : i32
      %dma_start3A_36 = tpu.memref_slice %arg5[%dma_start3A_34, %dma_start3A_35] : memref<128x128xf32, #tpu.memory_space<hbm>> -> memref<128x128xf32, #tpu.memory_space<hbm>>
      tpu.enqueue_dma source(%dma_start3A_36 : memref<128x128xf32, #tpu.memory_space<hbm>>) target(%dma_start3A_33 : memref<128x128xf32, #tpu.memory_space<vmem_shared>>) target_semaphore(%run_scoped3A : memref<!tpu.dma_semaphore, #tpu.memory_space<semaphore_mem>>)
      %dma_wait3A = arith.constant 0 : i32
      %dma_wait3A_37 = tpu.memref_slice %arg12[%add3A_8, %dma_wait3A] : memref<10112x128xf32, #tpu.memory_space<vmem_shared>> -> memref<128x128xf32, #tpu.memory_space<vmem_shared>>
      %dma_wait3A_38 = arith.constant 0 : i32
      %dma_wait3A_39 = arith.constant 0 : i32
      %dma_wait3A_40 = tpu.memref_slice %arg5[%dma_wait3A_38, %dma_wait3A_39] : memref<128x128xf32, #tpu.memory_space<hbm>> -> memref<128x128xf32, #tpu.memory_space<hbm>>
      tpu.wait_dma2 semaphore(%run_scoped3A : memref<!tpu.dma_semaphore, #tpu.memory_space<semaphore_mem>>) src(%dma_wait3A_40 : memref<128x128xf32, #tpu.memory_space<hbm>>) dst(%dma_wait3A_37 : memref<128x128xf32, #tpu.memory_space<vmem_shared>>)
      tpu.yield
    }) : () -> ()
    %add3A_9 = arith.constant 384 : i32
    %add3A_10 = arith.addi %mul3A_2, %add3A_9 : i32
    "tpu.region"() ({
      %run_scoped3A = tpu.sem_alloc : memref<!tpu.dma_semaphore, #tpu.memory_space<semaphore_mem>>
      %dma_start3A = arith.constant 0 : i32
      %dma_start3A_33 = tpu.memref_slice %arg12[%add3A_10, %dma_start3A] : memref<10112x128xf32, #tpu.memory_space<vmem_shared>> -> memref<128x128xf32, #tpu.memory_space<vmem_shared>>
      %dma_start3A_34 = arith.constant 0 : i32
      %dma_start3A_35 = arith.constant 0 : i32
      %dma_start3A_36 = tpu.memref_slice %arg5[%dma_start3A_34, %dma_start3A_35] : memref<128x128xf32, #tpu.memory_space<hbm>> -> memref<128x128xf32, #tpu.memory_space<hbm>>
      tpu.enqueue_dma source(%dma_start3A_36 : memref<128x128xf32, #tpu.memory_space<hbm>>) target(%dma_start3A_33 : memref<128x128xf32, #tpu.memory_space<vmem_shared>>) target_semaphore(%run_scoped3A : memref<!tpu.dma_semaphore, #tpu.memory_space<semaphore_mem>>)
      %dma_wait3A = arith.constant 0 : i32
      %dma_wait3A_37 = tpu.memref_slice %arg12[%add3A_10, %dma_wait3A] : memref<10112x128xf32, #tpu.memory_space<vmem_shared>> -> memref<128x128xf32, #tpu.memory_space<vmem_shared>>
      %dma_wait3A_38 = arith.constant 0 : i32
      %dma_wait3A_39 = arith.constant 0 : i32
      %dma_wait3A_40 = tpu.memref_slice %arg5[%dma_wait3A_38, %dma_wait3A_39] : memref<128x128xf32, #tpu.memory_space<hbm>> -> memref<128x128xf32, #tpu.memory_space<hbm>>
      tpu.wait_dma2 semaphore(%run_scoped3A : memref<!tpu.dma_semaphore, #tpu.memory_space<semaphore_mem>>) src(%dma_wait3A_40 : memref<128x128xf32, #tpu.memory_space<hbm>>) dst(%dma_wait3A_37 : memref<128x128xf32, #tpu.memory_space<vmem_shared>>)
      tpu.yield
    }) : () -> ()
    %add3A_11 = arith.constant 512 : i32
    %add3A_12 = arith.addi %mul3A_2, %add3A_11 : i32
    "tpu.region"() ({
      %run_scoped3A = tpu.sem_alloc : memref<!tpu.dma_semaphore, #tpu.memory_space<semaphore_mem>>
      %dma_start3A = arith.constant 0 : i32
      %dma_start3A_33 = tpu.memref_slice %arg12[%add3A_12, %dma_start3A] : memref<10112x128xf32, #tpu.memory_space<vmem_shared>> -> memref<120x128xf32, #tpu.memory_space<vmem_shared>>
      %dma_start3A_34 = arith.constant 0 : i32
      %dma_start3A_35 = arith.constant 0 : i32
      %dma_start3A_36 = tpu.memref_slice %arg5[%dma_start3A_34, %dma_start3A_35] : memref<128x128xf32, #tpu.memory_space<hbm>> -> memref<120x128xf32, #tpu.memory_space<hbm>>
      tpu.enqueue_dma source(%dma_start3A_36 : memref<120x128xf32, #tpu.memory_space<hbm>>) target(%dma_start3A_33 : memref<120x128xf32, #tpu.memory_space<vmem_shared>>) target_semaphore(%run_scoped3A : memref<!tpu.dma_semaphore, #tpu.memory_space<semaphore_mem>>)
      %dma_wait3A = arith.constant 0 : i32
      %dma_wait3A_37 = tpu.memref_slice %arg12[%add3A_12, %dma_wait3A] : memref<10112x128xf32, #tpu.memory_space<vmem_shared>> -> memref<120x128xf32, #tpu.memory_space<vmem_shared>>
      %dma_wait3A_38 = arith.constant 0 : i32
      %dma_wait3A_39 = arith.constant 0 : i32
      %dma_wait3A_40 = tpu.memref_slice %arg5[%dma_wait3A_38, %dma_wait3A_39] : memref<128x128xf32, #tpu.memory_space<hbm>> -> memref<120x128xf32, #tpu.memory_space<hbm>>
      tpu.wait_dma2 semaphore(%run_scoped3A : memref<!tpu.dma_semaphore, #tpu.memory_space<semaphore_mem>>) src(%dma_wait3A_40 : memref<120x128xf32, #tpu.memory_space<hbm>>) dst(%dma_wait3A_37 : memref<120x128xf32, #tpu.memory_space<vmem_shared>>)
      tpu.yield
    }) : () -> ()
    %mul3A_13 = arith.constant 80 : i32
    %mul3A_14 = arith.muli %add3A, %mul3A_13 : i32
    "tpu.region"() ({
      %run_scoped3A = tpu.sem_alloc : memref<!tpu.dma_semaphore, #tpu.memory_space<semaphore_mem>>
      %dma_start3A = arith.constant 0 : i32
      %dma_start3A_33 = tpu.memref_slice %arg3[%mul3A_14, %dma_start3A] : memref<2560x128xi32, #tpu.memory_space<hbm>> -> memref<80x128xi32, #tpu.memory_space<hbm>>
      %dma_start3A_34 = arith.constant 0 : i32
      %dma_start3A_35 = tpu.memref_slice %arg3[%mul3A_14, %dma_start3A_34] : memref<2560x128xi32, #tpu.memory_space<hbm>> -> memref<80x128xi32, #tpu.memory_space<hbm>>
      tpu.enqueue_dma source(%dma_start3A_35 : memref<80x128xi32, #tpu.memory_space<hbm>>) target(%arg7 : memref<80x128xi32, #tpu.memory_space<vmem>>) target_semaphore(%run_scoped3A : memref<!tpu.dma_semaphore, #tpu.memory_space<semaphore_mem>>)
      %dma_wait3A = arith.constant 0 : i32
      %dma_wait3A_36 = tpu.memref_slice %arg3[%mul3A_14, %dma_wait3A] : memref<2560x128xi32, #tpu.memory_space<hbm>> -> memref<80x128xi32, #tpu.memory_space<hbm>>
      %dma_wait3A_37 = arith.constant 0 : i32
      %dma_wait3A_38 = tpu.memref_slice %arg3[%mul3A_14, %dma_wait3A_37] : memref<2560x128xi32, #tpu.memory_space<hbm>> -> memref<80x128xi32, #tpu.memory_space<hbm>>
      tpu.wait_dma2 semaphore(%run_scoped3A : memref<!tpu.dma_semaphore, #tpu.memory_space<semaphore_mem>>) src(%dma_wait3A_38 : memref<80x128xi32, #tpu.memory_space<hbm>>) dst(%arg7 : memref<80x128xi32, #tpu.memory_space<vmem>>)
      tpu.yield
    }) : () -> ()
    %barrier3A = arith.constant 0 : index
    tpu.barrier barrier_id(%barrier3A)
    %mul3A_15 = arith.constant 80 : i32
    %mul3A_16 = arith.muli %add3A, %mul3A_15 : i32
    %scan3A = arith.constant 0 : i32
    %scan3A_17 = arith.constant 0 : i32
    %scan3A_18 = arith.constant 40 : i32
    %scan3A_19 = arith.addi %scan3A_17, %scan3A_18 : i32
    %scan3A_20 = arith.constant 1 : i32
    scf.for %scan3A_33 = %scan3A_17 to %scan3A_19 step %scan3A_20  : i32 {
      %mul3A_34 = arith.constant 2 : i32
      %mul3A_35 = arith.muli %mul3A_34, %scan3A_33 : i32
      %dma_start3A = arith.constant 0 : i32
      %dma_start3A_36 = tpu.memref_slice %arg7[%mul3A_35, %dma_start3A] : memref<80x128xi32, #tpu.memory_space<vmem>> -> memref<1x128xi32, #tpu.memory_space<vmem>>
      %dma_start3A_37 = tpu.memref_squeeze %dma_start3A_36 : memref<1x128xi32, #tpu.memory_space<vmem>> -> memref<128xi32, #tpu.memory_space<vmem>>
      %dma_start3A_38 = arith.constant 0 : i32
      %dma_start3A_39 = arith.constant 0 : i32
      %dma_start3A_40 = tpu.memref_slice %arg2[%dma_start3A_38, %dma_start3A_39] : memref<10112x128xf32, #tpu.memory_space<hbm>> -> memref<10112x128xf32, #tpu.memory_space<hbm>>
      tpu.enqueue_indirect_dma source(%dma_start3A_40 : memref<10112x128xf32, #tpu.memory_space<hbm>>) target(%arg10 : memref<128x128xf32, #tpu.memory_space<vmem>>) offsets(%dma_start3A_37 : memref<128xi32, #tpu.memory_space<vmem>>) semaphore(%arg13 : memref<!tpu.dma_semaphore, #tpu.memory_space<semaphore_mem>>)
      %add3A_41 = arith.constant 1 : i32
      %add3A_42 = arith.addi %mul3A_35, %add3A_41 : i32
      %dma_start3A_43 = arith.constant 0 : i32
      %dma_start3A_44 = tpu.memref_slice %arg7[%add3A_42, %dma_start3A_43] : memref<80x128xi32, #tpu.memory_space<vmem>> -> memref<1x128xi32, #tpu.memory_space<vmem>>
      %dma_start3A_45 = tpu.memref_squeeze %dma_start3A_44 : memref<1x128xi32, #tpu.memory_space<vmem>> -> memref<128xi32, #tpu.memory_space<vmem>>
      %dma_start3A_46 = arith.constant 0 : i32
      %dma_start3A_47 = arith.constant 0 : i32
      %dma_start3A_48 = tpu.memref_slice %arg2[%dma_start3A_46, %dma_start3A_47] : memref<10112x128xf32, #tpu.memory_space<hbm>> -> memref<10112x128xf32, #tpu.memory_space<hbm>>
      tpu.enqueue_indirect_dma source(%dma_start3A_48 : memref<10112x128xf32, #tpu.memory_space<hbm>>) target(%arg11 : memref<128x128xf32, #tpu.memory_space<vmem>>) offsets(%dma_start3A_45 : memref<128xi32, #tpu.memory_space<vmem>>) semaphore(%arg14 : memref<!tpu.dma_semaphore, #tpu.memory_space<semaphore_mem>>)
      %add3A_49 = arith.addi %mul3A_16, %mul3A_35 : i32
      "tpu.region"() ({
        %run_scoped3A = tpu.sem_alloc : memref<!tpu.dma_semaphore, #tpu.memory_space<semaphore_mem>>
        %dma_start3A_64 = arith.constant 0 : i32
        %dma_start3A_65 = tpu.memref_slice %arg4[%add3A_49, %dma_start3A_64] : memref<2560x128xi32, #tpu.memory_space<hbm>> -> memref<1x128xi32, #tpu.memory_space<hbm>>
        %dma_start3A_66 = tpu.memref_squeeze %dma_start3A_65 : memref<1x128xi32, #tpu.memory_space<hbm>> -> memref<128xi32, #tpu.memory_space<hbm>>
        %dma_start3A_67 = arith.constant 0 : i32
        %dma_start3A_68 = tpu.memref_slice %arg4[%add3A_49, %dma_start3A_67] : memref<2560x128xi32, #tpu.memory_space<hbm>> -> memref<1x128xi32, #tpu.memory_space<hbm>>
        %dma_start3A_69 = tpu.memref_squeeze %dma_start3A_68 : memref<1x128xi32, #tpu.memory_space<hbm>> -> memref<128xi32, #tpu.memory_space<hbm>>
        tpu.enqueue_dma source(%dma_start3A_69 : memref<128xi32, #tpu.memory_space<hbm>>) target(%arg8 : memref<128xi32, #tpu.memory_space<vmem>>) target_semaphore(%run_scoped3A : memref<!tpu.dma_semaphore, #tpu.memory_space<semaphore_mem>>)
        %dma_wait3A_70 = arith.constant 0 : i32
        %dma_wait3A_71 = tpu.memref_slice %arg4[%add3A_49, %dma_wait3A_70] : memref<2560x128xi32, #tpu.memory_space<hbm>> -> memref<1x128xi32, #tpu.memory_space<hbm>>
        %dma_wait3A_72 = tpu.memref_squeeze %dma_wait3A_71 : memref<1x128xi32, #tpu.memory_space<hbm>> -> memref<128xi32, #tpu.memory_space<hbm>>
        %dma_wait3A_73 = arith.constant 0 : i32
        %dma_wait3A_74 = tpu.memref_slice %arg4[%add3A_49, %dma_wait3A_73] : memref<2560x128xi32, #tpu.memory_space<hbm>> -> memref<1x128xi32, #tpu.memory_space<hbm>>
        %dma_wait3A_75 = tpu.memref_squeeze %dma_wait3A_74 : memref<1x128xi32, #tpu.memory_space<hbm>> -> memref<128xi32, #tpu.memory_space<hbm>>
        tpu.wait_dma2 semaphore(%run_scoped3A : memref<!tpu.dma_semaphore, #tpu.memory_space<semaphore_mem>>) src(%dma_wait3A_75 : memref<128xi32, #tpu.memory_space<hbm>>) dst(%arg8 : memref<128xi32, #tpu.memory_space<vmem>>)
        tpu.yield
      }) : () -> ()
      %add3A_50 = arith.addi %mul3A_16, %mul3A_35 : i32
      %add3A_51 = arith.constant 1 : i32
      %add3A_52 = arith.addi %add3A_50, %add3A_51 : i32
      "tpu.region"() ({
        %run_scoped3A = tpu.sem_alloc : memref<!tpu.dma_semaphore, #tpu.memory_space<semaphore_mem>>
        %dma_start3A_64 = arith.constant 0 : i32
        %dma_start3A_65 = tpu.memref_slice %arg4[%add3A_52, %dma_start3A_64] : memref<2560x128xi32, #tpu.memory_space<hbm>> -> memref<1x128xi32, #tpu.memory_space<hbm>>
        %dma_start3A_66 = tpu.memref_squeeze %dma_start3A_65 : memref<1x128xi32, #tpu.memory_space<hbm>> -> memref<128xi32, #tpu.memory_space<hbm>>
        %dma_start3A_67 = arith.constant 0 : i32
        %dma_start3A_68 = tpu.memref_slice %arg4[%add3A_52, %dma_start3A_67] : memref<2560x128xi32, #tpu.memory_space<hbm>> -> memref<1x128xi32, #tpu.memory_space<hbm>>
        %dma_start3A_69 = tpu.memref_squeeze %dma_start3A_68 : memref<1x128xi32, #tpu.memory_space<hbm>> -> memref<128xi32, #tpu.memory_space<hbm>>
        tpu.enqueue_dma source(%dma_start3A_69 : memref<128xi32, #tpu.memory_space<hbm>>) target(%arg9 : memref<128xi32, #tpu.memory_space<vmem>>) target_semaphore(%run_scoped3A : memref<!tpu.dma_semaphore, #tpu.memory_space<semaphore_mem>>)
        %dma_wait3A_70 = arith.constant 0 : i32
        %dma_wait3A_71 = tpu.memref_slice %arg4[%add3A_52, %dma_wait3A_70] : memref<2560x128xi32, #tpu.memory_space<hbm>> -> memref<1x128xi32, #tpu.memory_space<hbm>>
        %dma_wait3A_72 = tpu.memref_squeeze %dma_wait3A_71 : memref<1x128xi32, #tpu.memory_space<hbm>> -> memref<128xi32, #tpu.memory_space<hbm>>
        %dma_wait3A_73 = arith.constant 0 : i32
        %dma_wait3A_74 = tpu.memref_slice %arg4[%add3A_52, %dma_wait3A_73] : memref<2560x128xi32, #tpu.memory_space<hbm>> -> memref<1x128xi32, #tpu.memory_space<hbm>>
        %dma_wait3A_75 = tpu.memref_squeeze %dma_wait3A_74 : memref<1x128xi32, #tpu.memory_space<hbm>> -> memref<128xi32, #tpu.memory_space<hbm>>
        tpu.wait_dma2 semaphore(%run_scoped3A : memref<!tpu.dma_semaphore, #tpu.memory_space<semaphore_mem>>) src(%dma_wait3A_75 : memref<128xi32, #tpu.memory_space<hbm>>) dst(%arg9 : memref<128xi32, #tpu.memory_space<vmem>>)
        tpu.yield
      }) : () -> ()
      %dma_wait3A = arith.constant 0 : i32
      %dma_wait3A_53 = tpu.memref_slice %arg7[%mul3A_35, %dma_wait3A] : memref<80x128xi32, #tpu.memory_space<vmem>> -> memref<1x128xi32, #tpu.memory_space<vmem>>
      %dma_wait3A_54 = tpu.memref_squeeze %dma_wait3A_53 : memref<1x128xi32, #tpu.memory_space<vmem>> -> memref<128xi32, #tpu.memory_space<vmem>>
      %dma_wait3A_55 = arith.constant 0 : i32
      %dma_wait3A_56 = arith.constant 0 : i32
      %dma_wait3A_57 = tpu.memref_slice %arg2[%dma_wait3A_55, %dma_wait3A_56] : memref<10112x128xf32, #tpu.memory_space<hbm>> -> memref<10112x128xf32, #tpu.memory_space<hbm>>
      tpu.wait_indirect_dma semaphore(%arg13 : memref<!tpu.dma_semaphore, #tpu.memory_space<semaphore_mem>>) src(%dma_wait3A_57 : memref<10112x128xf32, #tpu.memory_space<hbm>>) dst(%arg10 : memref<128x128xf32, #tpu.memory_space<vmem>>)
      "tpu.region"() ({
        %run_scoped3A = tpu.sem_alloc : memref<!tpu.dma_semaphore, #tpu.memory_space<semaphore_mem>>
        %dma_start3A_64 = arith.constant 0 : i32
        %dma_start3A_65 = arith.constant 0 : i32
        %dma_start3A_66 = tpu.memref_slice %arg12[%dma_start3A_64, %dma_start3A_65] : memref<10112x128xf32, #tpu.memory_space<vmem_shared>> -> memref<10112x128xf32, #tpu.memory_space<vmem_shared>>
        tpu.enqueue_indirect_dma source(%arg10 : memref<128x128xf32, #tpu.memory_space<vmem>>) target(%dma_start3A_66 : memref<10112x128xf32, #tpu.memory_space<vmem_shared>>) offsets(%arg8 : memref<128xi32, #tpu.memory_space<vmem>>) semaphore(%run_scoped3A : memref<!tpu.dma_semaphore, #tpu.memory_space<semaphore_mem>>) {add = true}
        %dma_wait3A_67 = arith.constant 0 : i32
        %dma_wait3A_68 = arith.constant 0 : i32
        %dma_wait3A_69 = tpu.memref_slice %arg12[%dma_wait3A_67, %dma_wait3A_68] : memref<10112x128xf32, #tpu.memory_space<vmem_shared>> -> memref<10112x128xf32, #tpu.memory_space<vmem_shared>>
        tpu.wait_indirect_dma semaphore(%run_scoped3A : memref<!tpu.dma_semaphore, #tpu.memory_space<semaphore_mem>>) src(%arg10 : memref<128x128xf32, #tpu.memory_space<vmem>>) dst(%dma_wait3A_69 : memref<10112x128xf32, #tpu.memory_space<vmem_shared>>)
        tpu.yield
      }) : () -> ()
      %dma_wait3A_58 = arith.constant 0 : i32
      %dma_wait3A_59 = tpu.memref_slice %arg7[%add3A_42, %dma_wait3A_58] : memref<80x128xi32, #tpu.memory_space<vmem>> -> memref<1x128xi32, #tpu.memory_space<vmem>>
      %dma_wait3A_60 = tpu.memref_squeeze %dma_wait3A_59 : memref<1x128xi32, #tpu.memory_space<vmem>> -> memref<128xi32, #tpu.memory_space<vmem>>
      %dma_wait3A_61 = arith.constant 0 : i32
      %dma_wait3A_62 = arith.constant 0 : i32
      %dma_wait3A_63 = tpu.memref_slice %arg2[%dma_wait3A_61, %dma_wait3A_62] : memref<10112x128xf32, #tpu.memory_space<hbm>> -> memref<10112x128xf32, #tpu.memory_space<hbm>>
      tpu.wait_indirect_dma semaphore(%arg14 : memref<!tpu.dma_semaphore, #tpu.memory_space<semaphore_mem>>) src(%dma_wait3A_63 : memref<10112x128xf32, #tpu.memory_space<hbm>>) dst(%arg11 : memref<128x128xf32, #tpu.memory_space<vmem>>)
      "tpu.region"() ({
        %run_scoped3A = tpu.sem_alloc : memref<!tpu.dma_semaphore, #tpu.memory_space<semaphore_mem>>
        %dma_start3A_64 = arith.constant 0 : i32
        %dma_start3A_65 = arith.constant 0 : i32
        %dma_start3A_66 = tpu.memref_slice %arg12[%dma_start3A_64, %dma_start3A_65] : memref<10112x128xf32, #tpu.memory_space<vmem_shared>> -> memref<10112x128xf32, #tpu.memory_space<vmem_shared>>
        tpu.enqueue_indirect_dma source(%arg11 : memref<128x128xf32, #tpu.memory_space<vmem>>) target(%dma_start3A_66 : memref<10112x128xf32, #tpu.memory_space<vmem_shared>>) offsets(%arg9 : memref<128xi32, #tpu.memory_space<vmem>>) semaphore(%run_scoped3A : memref<!tpu.dma_semaphore, #tpu.memory_space<semaphore_mem>>) {add = true}
        %dma_wait3A_67 = arith.constant 0 : i32
        %dma_wait3A_68 = arith.constant 0 : i32
        %dma_wait3A_69 = tpu.memref_slice %arg12[%dma_wait3A_67, %dma_wait3A_68] : memref<10112x128xf32, #tpu.memory_space<vmem_shared>> -> memref<10112x128xf32, #tpu.memory_space<vmem_shared>>
        tpu.wait_indirect_dma semaphore(%run_scoped3A : memref<!tpu.dma_semaphore, #tpu.memory_space<semaphore_mem>>) src(%arg11 : memref<128x128xf32, #tpu.memory_space<vmem>>) dst(%dma_wait3A_69 : memref<10112x128xf32, #tpu.memory_space<vmem_shared>>)
        tpu.yield
      }) : () -> ()
    }
    %scan3A_21 = arith.constant 40 : i32
    %barrier3A_22 = arith.constant 0 : index
    tpu.barrier barrier_id(%barrier3A_22)
    %add3A_23 = arith.constant 0 : i32
    %add3A_24 = arith.addi %mul3A_2, %add3A_23 : i32
    "tpu.region"() ({
      %run_scoped3A = tpu.sem_alloc : memref<!tpu.dma_semaphore, #tpu.memory_space<semaphore_mem>>
      %dma_start3A = arith.constant 0 : i32
      %dma_start3A_33 = tpu.memref_slice %arg6[%arg0, %add3A_24, %dma_start3A] : memref<2x10112x128xf32, #tpu.memory_space<hbm>> -> memref<1x128x128xf32, #tpu.memory_space<hbm>>
      %dma_start3A_34 = tpu.memref_squeeze %dma_start3A_33 : memref<1x128x128xf32, #tpu.memory_space<hbm>> -> memref<128x128xf32, #tpu.memory_space<hbm>>
      %dma_start3A_35 = arith.constant 0 : i32
      %dma_start3A_36 = tpu.memref_slice %arg12[%add3A_24, %dma_start3A_35] : memref<10112x128xf32, #tpu.memory_space<vmem_shared>> -> memref<128x128xf32, #tpu.memory_space<vmem_shared>>
      tpu.enqueue_dma source(%dma_start3A_36 : memref<128x128xf32, #tpu.memory_space<vmem_shared>>) target(%dma_start3A_34 : memref<128x128xf32, #tpu.memory_space<hbm>>) target_semaphore(%run_scoped3A : memref<!tpu.dma_semaphore, #tpu.memory_space<semaphore_mem>>)
      %dma_wait3A = arith.constant 0 : i32
      %dma_wait3A_37 = tpu.memref_slice %arg6[%arg0, %add3A_24, %dma_wait3A] : memref<2x10112x128xf32, #tpu.memory_space<hbm>> -> memref<1x128x128xf32, #tpu.memory_space<hbm>>
      %dma_wait3A_38 = tpu.memref_squeeze %dma_wait3A_37 : memref<1x128x128xf32, #tpu.memory_space<hbm>> -> memref<128x128xf32, #tpu.memory_space<hbm>>
      %dma_wait3A_39 = arith.constant 0 : i32
      %dma_wait3A_40 = tpu.memref_slice %arg12[%add3A_24, %dma_wait3A_39] : memref<10112x128xf32, #tpu.memory_space<vmem_shared>> -> memref<128x128xf32, #tpu.memory_space<vmem_shared>>
      tpu.wait_dma2 semaphore(%run_scoped3A : memref<!tpu.dma_semaphore, #tpu.memory_space<semaphore_mem>>) src(%dma_wait3A_40 : memref<128x128xf32, #tpu.memory_space<vmem_shared>>) dst(%dma_wait3A_38 : memref<128x128xf32, #tpu.memory_space<hbm>>)
      tpu.yield
    }) : () -> ()
    %add3A_25 = arith.constant 128 : i32
    %add3A_26 = arith.addi %mul3A_2, %add3A_25 : i32
    "tpu.region"() ({
      %run_scoped3A = tpu.sem_alloc : memref<!tpu.dma_semaphore, #tpu.memory_space<semaphore_mem>>
      %dma_start3A = arith.constant 0 : i32
      %dma_start3A_33 = tpu.memref_slice %arg6[%arg0, %add3A_26, %dma_start3A] : memref<2x10112x128xf32, #tpu.memory_space<hbm>> -> memref<1x128x128xf32, #tpu.memory_space<hbm>>
      %dma_start3A_34 = tpu.memref_squeeze %dma_start3A_33 : memref<1x128x128xf32, #tpu.memory_space<hbm>> -> memref<128x128xf32, #tpu.memory_space<hbm>>
      %dma_start3A_35 = arith.constant 0 : i32
      %dma_start3A_36 = tpu.memref_slice %arg12[%add3A_26, %dma_start3A_35] : memref<10112x128xf32, #tpu.memory_space<vmem_shared>> -> memref<128x128xf32, #tpu.memory_space<vmem_shared>>
      tpu.enqueue_dma source(%dma_start3A_36 : memref<128x128xf32, #tpu.memory_space<vmem_shared>>) target(%dma_start3A_34 : memref<128x128xf32, #tpu.memory_space<hbm>>) target_semaphore(%run_scoped3A : memref<!tpu.dma_semaphore, #tpu.memory_space<semaphore_mem>>)
      %dma_wait3A = arith.constant 0 : i32
      %dma_wait3A_37 = tpu.memref_slice %arg6[%arg0, %add3A_26, %dma_wait3A] : memref<2x10112x128xf32, #tpu.memory_space<hbm>> -> memref<1x128x128xf32, #tpu.memory_space<hbm>>
      %dma_wait3A_38 = tpu.memref_squeeze %dma_wait3A_37 : memref<1x128x128xf32, #tpu.memory_space<hbm>> -> memref<128x128xf32, #tpu.memory_space<hbm>>
      %dma_wait3A_39 = arith.constant 0 : i32
      %dma_wait3A_40 = tpu.memref_slice %arg12[%add3A_26, %dma_wait3A_39] : memref<10112x128xf32, #tpu.memory_space<vmem_shared>> -> memref<128x128xf32, #tpu.memory_space<vmem_shared>>
      tpu.wait_dma2 semaphore(%run_scoped3A : memref<!tpu.dma_semaphore, #tpu.memory_space<semaphore_mem>>) src(%dma_wait3A_40 : memref<128x128xf32, #tpu.memory_space<vmem_shared>>) dst(%dma_wait3A_38 : memref<128x128xf32, #tpu.memory_space<hbm>>)
      tpu.yield
    }) : () -> ()
    %add3A_27 = arith.constant 256 : i32
    %add3A_28 = arith.addi %mul3A_2, %add3A_27 : i32
    "tpu.region"() ({
      %run_scoped3A = tpu.sem_alloc : memref<!tpu.dma_semaphore, #tpu.memory_space<semaphore_mem>>
      %dma_start3A = arith.constant 0 : i32
      %dma_start3A_33 = tpu.memref_slice %arg6[%arg0, %add3A_28, %dma_start3A] : memref<2x10112x128xf32, #tpu.memory_space<hbm>> -> memref<1x128x128xf32, #tpu.memory_space<hbm>>
      %dma_start3A_34 = tpu.memref_squeeze %dma_start3A_33 : memref<1x128x128xf32, #tpu.memory_space<hbm>> -> memref<128x128xf32, #tpu.memory_space<hbm>>
      %dma_start3A_35 = arith.constant 0 : i32
      %dma_start3A_36 = tpu.memref_slice %arg12[%add3A_28, %dma_start3A_35] : memref<10112x128xf32, #tpu.memory_space<vmem_shared>> -> memref<128x128xf32, #tpu.memory_space<vmem_shared>>
      tpu.enqueue_dma source(%dma_start3A_36 : memref<128x128xf32, #tpu.memory_space<vmem_shared>>) target(%dma_start3A_34 : memref<128x128xf32, #tpu.memory_space<hbm>>) target_semaphore(%run_scoped3A : memref<!tpu.dma_semaphore, #tpu.memory_space<semaphore_mem>>)
      %dma_wait3A = arith.constant 0 : i32
      %dma_wait3A_37 = tpu.memref_slice %arg6[%arg0, %add3A_28, %dma_wait3A] : memref<2x10112x128xf32, #tpu.memory_space<hbm>> -> memref<1x128x128xf32, #tpu.memory_space<hbm>>
      %dma_wait3A_38 = tpu.memref_squeeze %dma_wait3A_37 : memref<1x128x128xf32, #tpu.memory_space<hbm>> -> memref<128x128xf32, #tpu.memory_space<hbm>>
      %dma_wait3A_39 = arith.constant 0 : i32
      %dma_wait3A_40 = tpu.memref_slice %arg12[%add3A_28, %dma_wait3A_39] : memref<10112x128xf32, #tpu.memory_space<vmem_shared>> -> memref<128x128xf32, #tpu.memory_space<vmem_shared>>
      tpu.wait_dma2 semaphore(%run_scoped3A : memref<!tpu.dma_semaphore, #tpu.memory_space<semaphore_mem>>) src(%dma_wait3A_40 : memref<128x128xf32, #tpu.memory_space<vmem_shared>>) dst(%dma_wait3A_38 : memref<128x128xf32, #tpu.memory_space<hbm>>)
      tpu.yield
    }) : () -> ()
    %add3A_29 = arith.constant 384 : i32
    %add3A_30 = arith.addi %mul3A_2, %add3A_29 : i32
    "tpu.region"() ({
      %run_scoped3A = tpu.sem_alloc : memref<!tpu.dma_semaphore, #tpu.memory_space<semaphore_mem>>
      %dma_start3A = arith.constant 0 : i32
      %dma_start3A_33 = tpu.memref_slice %arg6[%arg0, %add3A_30, %dma_start3A] : memref<2x10112x128xf32, #tpu.memory_space<hbm>> -> memref<1x128x128xf32, #tpu.memory_space<hbm>>
      %dma_start3A_34 = tpu.memref_squeeze %dma_start3A_33 : memref<1x128x128xf32, #tpu.memory_space<hbm>> -> memref<128x128xf32, #tpu.memory_space<hbm>>
      %dma_start3A_35 = arith.constant 0 : i32
      %dma_start3A_36 = tpu.memref_slice %arg12[%add3A_30, %dma_start3A_35] : memref<10112x128xf32, #tpu.memory_space<vmem_shared>> -> memref<128x128xf32, #tpu.memory_space<vmem_shared>>
      tpu.enqueue_dma source(%dma_start3A_36 : memref<128x128xf32, #tpu.memory_space<vmem_shared>>) target(%dma_start3A_34 : memref<128x128xf32, #tpu.memory_space<hbm>>) target_semaphore(%run_scoped3A : memref<!tpu.dma_semaphore, #tpu.memory_space<semaphore_mem>>)
      %dma_wait3A = arith.constant 0 : i32
      %dma_wait3A_37 = tpu.memref_slice %arg6[%arg0, %add3A_30, %dma_wait3A] : memref<2x10112x128xf32, #tpu.memory_space<hbm>> -> memref<1x128x128xf32, #tpu.memory_space<hbm>>
      %dma_wait3A_38 = tpu.memref_squeeze %dma_wait3A_37 : memref<1x128x128xf32, #tpu.memory_space<hbm>> -> memref<128x128xf32, #tpu.memory_space<hbm>>
      %dma_wait3A_39 = arith.constant 0 : i32
      %dma_wait3A_40 = tpu.memref_slice %arg12[%add3A_30, %dma_wait3A_39] : memref<10112x128xf32, #tpu.memory_space<vmem_shared>> -> memref<128x128xf32, #tpu.memory_space<vmem_shared>>
      tpu.wait_dma2 semaphore(%run_scoped3A : memref<!tpu.dma_semaphore, #tpu.memory_space<semaphore_mem>>) src(%dma_wait3A_40 : memref<128x128xf32, #tpu.memory_space<vmem_shared>>) dst(%dma_wait3A_38 : memref<128x128xf32, #tpu.memory_space<hbm>>)
      tpu.yield
    }) : () -> ()
    %add3A_31 = arith.constant 512 : i32
    %add3A_32 = arith.addi %mul3A_2, %add3A_31 : i32
    "tpu.region"() ({
      %run_scoped3A = tpu.sem_alloc : memref<!tpu.dma_semaphore, #tpu.memory_space<semaphore_mem>>
      %dma_start3A = arith.constant 0 : i32
      %dma_start3A_33 = tpu.memref_slice %arg6[%arg0, %add3A_32, %dma_start3A] : memref<2x10112x128xf32, #tpu.memory_space<hbm>> -> memref<1x120x128xf32, #tpu.memory_space<hbm>>
      %dma_start3A_34 = tpu.memref_squeeze %dma_start3A_33 : memref<1x120x128xf32, #tpu.memory_space<hbm>> -> memref<120x128xf32, #tpu.memory_space<hbm>>
      %dma_start3A_35 = arith.constant 0 : i32
      %dma_start3A_36 = tpu.memref_slice %arg12[%add3A_32, %dma_start3A_35] : memref<10112x128xf32, #tpu.memory_space<vmem_shared>> -> memref<120x128xf32, #tpu.memory_space<vmem_shared>>
      tpu.enqueue_dma source(%dma_start3A_36 : memref<120x128xf32, #tpu.memory_space<vmem_shared>>) target(%dma_start3A_34 : memref<120x128xf32, #tpu.memory_space<hbm>>) target_semaphore(%run_scoped3A : memref<!tpu.dma_semaphore, #tpu.memory_space<semaphore_mem>>)
      %dma_wait3A = arith.constant 0 : i32
      %dma_wait3A_37 = tpu.memref_slice %arg6[%arg0, %add3A_32, %dma_wait3A] : memref<2x10112x128xf32, #tpu.memory_space<hbm>> -> memref<1x120x128xf32, #tpu.memory_space<hbm>>
      %dma_wait3A_38 = tpu.memref_squeeze %dma_wait3A_37 : memref<1x120x128xf32, #tpu.memory_space<hbm>> -> memref<120x128xf32, #tpu.memory_space<hbm>>
      %dma_wait3A_39 = arith.constant 0 : i32
      %dma_wait3A_40 = tpu.memref_slice %arg12[%add3A_32, %dma_wait3A_39] : memref<10112x128xf32, #tpu.memory_space<vmem_shared>> -> memref<120x128xf32, #tpu.memory_space<vmem_shared>>
      tpu.wait_dma2 semaphore(%run_scoped3A : memref<!tpu.dma_semaphore, #tpu.memory_space<semaphore_mem>>) src(%dma_wait3A_40 : memref<120x128xf32, #tpu.memory_space<vmem_shared>>) dst(%dma_wait3A_38 : memref<120x128xf32, #tpu.memory_space<hbm>>)
      tpu.yield
    }) : () -> ()
    return
  }
}

module attributes {stable_mosaic.version = 14 : i64} {
  func.func @_mid_body(%arg0: memref<2x10112x128xf32, #tpu.memory_space<vmem>>, %arg1: memref<10112x128xf32, #tpu.memory_space<vmem>>, %arg2: memref<10000x1xf32, #tpu.memory_space<vmem>>, %arg3: memref<128x128xf32, #tpu.memory_space<vmem>>, %arg4: memref<1x128xf32, #tpu.memory_space<vmem>>, %arg5: memref<10112x128xf32, #tpu.memory_space<vmem>>) attributes {dimension_semantics = [], scalar_prefetch = 0 : i64, scratch_operands = 0 : i64, tpu.core_type = #tpu.core_type<tc>} {
    %get3A = arith.constant 0 : index
    %get3A_0 = arith.constant 0 : index
    %get3A_1 = arith.constant 0 : index
    %get3A_2 = vector.load %arg0[%get3A, %get3A_0, %get3A_1] : memref<2x10112x128xf32, #tpu.memory_space<vmem>>, vector<1x10000x128xf32>
    %get3A_3 = vector.shape_cast %get3A_2 : vector<1x10000x128xf32> to vector<10000x128xf32>
    %get3A_4 = arith.constant 1 : index
    %get3A_5 = arith.constant 0 : index
    %get3A_6 = arith.constant 0 : index
    %get3A_7 = vector.load %arg0[%get3A_4, %get3A_5, %get3A_6] : memref<2x10112x128xf32, #tpu.memory_space<vmem>>, vector<1x10000x128xf32>
    %get3A_8 = vector.shape_cast %get3A_7 : vector<1x10000x128xf32> to vector<10000x128xf32>
    %add3A = arith.addf %get3A_3, %get3A_8 : vector<10000x128xf32>
    %get3A_9 = arith.constant 0 : index
    %get3A_10 = arith.constant 0 : index
    %get3A_11 = vector.load %arg2[%get3A_9, %get3A_10] : memref<10000x1xf32, #tpu.memory_space<vmem>>, vector<10000x1xf32>
    %get3A_12 = arith.constant 0 : index
    %get3A_13 = arith.constant 0 : index
    %get3A_14 = vector.load %arg1[%get3A_12, %get3A_13] : memref<10112x128xf32, #tpu.memory_space<vmem>>, vector<10000x128xf32>
    %add3A_15 = arith.addf %add3A, %get3A_14 : vector<10000x128xf32>
    %mul3A = vector.broadcast %get3A_11 : vector<10000x1xf32> to vector<10000x128xf32>
    %mul3A_16 = arith.mulf %add3A_15, %mul3A : vector<10000x128xf32>
    %get3A_17 = arith.constant 0 : index
    %get3A_18 = arith.constant 0 : index
    %get3A_19 = vector.load %arg4[%get3A_17, %get3A_18] : memref<1x128xf32, #tpu.memory_space<vmem>>, vector<1x128xf32>
    %add3A_20 = vector.broadcast %get3A_19 : vector<1x128xf32> to vector<10000x128xf32>
    %add3A_21 = arith.addf %mul3A_16, %add3A_20 : vector<10000x128xf32>
    %max3A = arith.constant 0.000000e+00 : f32
    %max3A_22 = vector.broadcast %max3A : f32 to vector<10000x128xf32>
    %max3A_23 = arith.maximumf %add3A_21, %max3A_22 : vector<10000x128xf32>
    %convert_element_type3A = arith.truncf %max3A_23 : vector<10000x128xf32> to vector<10000x128xbf16>
    %get3A_24 = arith.constant 0 : index
    %get3A_25 = arith.constant 0 : index
    %get3A_26 = vector.load %arg3[%get3A_24, %get3A_25] : memref<128x128xf32, #tpu.memory_space<vmem>>, vector<128x128xf32>
    %convert_element_type3A_27 = arith.truncf %get3A_26 : vector<128x128xf32> to vector<128x128xbf16>
    %dot_general3A = arith.constant dense<0.000000e+00> : vector<10000x128xf32>
    %dot_general3A_28 = tpu.matmul %convert_element_type3A, %convert_element_type3A_27, %dot_general3A {dimension_numbers = #tpu.dot_dimension_numbers<[1], [0], [0], [1], [0, 0, 1, 1], [], []>, transpose_lhs_hint = false} : vector<10000x128xbf16>, vector<128x128xbf16>, vector<10000x128xf32> -> vector<10000x128xf32>
    %mul3A_29 = vector.broadcast %get3A_11 : vector<10000x1xf32> to vector<10000x128xf32>
    %mul3A_30 = arith.mulf %dot_general3A_28, %mul3A_29 : vector<10000x128xf32>
    %swap3A = arith.constant 0 : index
    %swap3A_31 = arith.constant 0 : index
    %swap3A_32 = vector.load %arg5[%swap3A, %swap3A_31] : memref<10112x128xf32, #tpu.memory_space<vmem>>, vector<10000x128xf32>
    tpu.vector_store %arg5[%swap3A, %swap3A_31], %mul3A_30 {strides = array<i32>} : memref<10112x128xf32, #tpu.memory_space<vmem>>, vector<10000x128xf32>,
    %broadcast_in_dim3A = arith.constant 0.000000e+00 : f32
    %broadcast_in_dim3A_33 = vector.broadcast %broadcast_in_dim3A : f32 to vector<112x128xf32>
    %swap3A_34 = arith.constant 10000 : index
    %swap3A_35 = arith.constant 0 : index
    %swap3A_36 = vector.load %arg5[%swap3A_34, %swap3A_35] : memref<10112x128xf32, #tpu.memory_space<vmem>>, vector<112x128xf32>
    tpu.vector_store %arg5[%swap3A_34, %swap3A_35], %broadcast_in_dim3A_33 {strides = array<i32>} : memref<10112x128xf32, #tpu.memory_space<vmem>>, vector<112x128xf32>,
    return
  }
}

module attributes {stable_mosaic.version = 14 : i64} {
  func.func @_mm1_body(%arg0: memref<10000x128xf32, #tpu.memory_space<vmem>>, %arg1: memref<128x128xf32, #tpu.memory_space<vmem>>, %arg2: memref<2x10112x128xf32, #tpu.memory_space<vmem>>, %arg3: memref<10112x128xf32, #tpu.memory_space<vmem>>, %arg4: memref<10000x1xf32, #tpu.memory_space<vmem>>) attributes {dimension_semantics = [], scalar_prefetch = 0 : i64, scratch_operands = 0 : i64, tpu.core_type = #tpu.core_type<tc>} {
    %get3A = arith.constant 0 : index
    %get3A_0 = arith.constant 0 : index
    %get3A_1 = arith.constant 0 : index
    %get3A_2 = vector.load %arg2[%get3A, %get3A_0, %get3A_1] : memref<2x10112x128xf32, #tpu.memory_space<vmem>>, vector<1x10000x1xf32>
    %get3A_3 = vector.shape_cast %get3A_2 : vector<1x10000x1xf32> to vector<10000x1xf32>
    %get3A_4 = arith.constant 1 : index
    %get3A_5 = arith.constant 0 : index
    %get3A_6 = arith.constant 0 : index
    %get3A_7 = vector.load %arg2[%get3A_4, %get3A_5, %get3A_6] : memref<2x10112x128xf32, #tpu.memory_space<vmem>>, vector<1x10000x1xf32>
    %get3A_8 = vector.shape_cast %get3A_7 : vector<1x10000x1xf32> to vector<10000x1xf32>
    %add3A = arith.addf %get3A_3, %get3A_8 : vector<10000x1xf32>
    %add3A_9 = arith.constant 1.000000e+00 : f32
    %add3A_10 = vector.broadcast %add3A_9 : f32 to vector<10000x1xf32>
    %add3A_11 = arith.addf %add3A, %add3A_10 : vector<10000x1xf32>
    %rsqrt3A = math.rsqrt %add3A_11 : vector<10000x1xf32>
    %swap3A = arith.constant 0 : index
    %swap3A_12 = arith.constant 0 : index
    %swap3A_13 = vector.load %arg4[%swap3A, %swap3A_12] : memref<10000x1xf32, #tpu.memory_space<vmem>>, vector<10000x1xf32>
    tpu.vector_store %arg4[%swap3A, %swap3A_12], %rsqrt3A {strides = array<i32>} : memref<10000x1xf32, #tpu.memory_space<vmem>>, vector<10000x1xf32>,
    %get3A_14 = arith.constant 0 : index
    %get3A_15 = arith.constant 0 : index
    %get3A_16 = vector.load %arg0[%get3A_14, %get3A_15] : memref<10000x128xf32, #tpu.memory_space<vmem>>, vector<10000x128xf32>
    %convert_element_type3A = arith.truncf %get3A_16 : vector<10000x128xf32> to vector<10000x128xbf16>
    %get3A_17 = arith.constant 0 : index
    %get3A_18 = arith.constant 0 : index
    %get3A_19 = vector.load %arg1[%get3A_17, %get3A_18] : memref<128x128xf32, #tpu.memory_space<vmem>>, vector<128x128xf32>
    %convert_element_type3A_20 = arith.truncf %get3A_19 : vector<128x128xf32> to vector<128x128xbf16>
    %dot_general3A = arith.constant dense<0.000000e+00> : vector<10000x128xf32>
    %dot_general3A_21 = tpu.matmul %convert_element_type3A, %convert_element_type3A_20, %dot_general3A {dimension_numbers = #tpu.dot_dimension_numbers<[1], [0], [0], [1], [0, 0, 1, 1], [], []>, transpose_lhs_hint = false} : vector<10000x128xbf16>, vector<128x128xbf16>, vector<10000x128xf32> -> vector<10000x128xf32>
    %mul3A = vector.broadcast %rsqrt3A : vector<10000x1xf32> to vector<10000x128xf32>
    %mul3A_22 = arith.mulf %dot_general3A_21, %mul3A : vector<10000x128xf32>
    %swap3A_23 = arith.constant 0 : index
    %swap3A_24 = arith.constant 0 : index
    %swap3A_25 = vector.load %arg3[%swap3A_23, %swap3A_24] : memref<10112x128xf32, #tpu.memory_space<vmem>>, vector<10000x128xf32>
    tpu.vector_store %arg3[%swap3A_23, %swap3A_24], %mul3A_22 {strides = array<i32>} : memref<10112x128xf32, #tpu.memory_space<vmem>>, vector<10000x128xf32>,
    %broadcast_in_dim3A = arith.constant 0.000000e+00 : f32
    %broadcast_in_dim3A_26 = vector.broadcast %broadcast_in_dim3A : f32 to vector<112x128xf32>
    %swap3A_27 = arith.constant 10000 : index
    %swap3A_28 = arith.constant 0 : index
    %swap3A_29 = vector.load %arg3[%swap3A_27, %swap3A_28] : memref<10112x128xf32, #tpu.memory_space<vmem>>, vector<112x128xf32>
    tpu.vector_store %arg3[%swap3A_27, %swap3A_28], %broadcast_in_dim3A_26 {strides = array<i32>} : memref<10112x128xf32, #tpu.memory_space<vmem>>, vector<112x128xf32>,
    return
  }
}

module attributes {stable_mosaic.version = 14 : i64} {
  func.func @_fin_body(%arg0: memref<2x10112x128xf32, #tpu.memory_space<vmem>>, %arg1: memref<10112x128xf32, #tpu.memory_space<vmem>>, %arg2: memref<10000x1xf32, #tpu.memory_space<vmem>>, %arg3: memref<1x128xf32, #tpu.memory_space<vmem>>, %arg4: memref<1x10000xi32, #tpu.memory_space<vmem>>, %arg5: memref<128x1xf32, #tpu.memory_space<vmem>>, %arg6: memref<1x1xf32, #tpu.memory_space<vmem>>, %arg7: memref<64x1xf32, #tpu.memory_space<vmem>>) attributes {dimension_semantics = [], scalar_prefetch = 0 : i64, scratch_operands = 0 : i64, tpu.core_type = #tpu.core_type<tc>} {
    %get3A = arith.constant 0 : index
    %get3A_0 = arith.constant 0 : index
    %get3A_1 = arith.constant 0 : index
    %get3A_2 = vector.load %arg0[%get3A, %get3A_0, %get3A_1] : memref<2x10112x128xf32, #tpu.memory_space<vmem>>, vector<1x10000x128xf32>
    %get3A_3 = vector.shape_cast %get3A_2 : vector<1x10000x128xf32> to vector<10000x128xf32>
    %get3A_4 = arith.constant 1 : index
    %get3A_5 = arith.constant 0 : index
    %get3A_6 = arith.constant 0 : index
    %get3A_7 = vector.load %arg0[%get3A_4, %get3A_5, %get3A_6] : memref<2x10112x128xf32, #tpu.memory_space<vmem>>, vector<1x10000x128xf32>
    %get3A_8 = vector.shape_cast %get3A_7 : vector<1x10000x128xf32> to vector<10000x128xf32>
    %add3A = arith.addf %get3A_3, %get3A_8 : vector<10000x128xf32>
    %get3A_9 = arith.constant 0 : index
    %get3A_10 = arith.constant 0 : index
    %get3A_11 = vector.load %arg1[%get3A_9, %get3A_10] : memref<10112x128xf32, #tpu.memory_space<vmem>>, vector<10000x128xf32>
    %add3A_12 = arith.addf %add3A, %get3A_11 : vector<10000x128xf32>
    %get3A_13 = arith.constant 0 : index
    %get3A_14 = arith.constant 0 : index
    %get3A_15 = vector.load %arg2[%get3A_13, %get3A_14] : memref<10000x1xf32, #tpu.memory_space<vmem>>, vector<10000x1xf32>
    %mul3A = vector.broadcast %get3A_15 : vector<10000x1xf32> to vector<10000x128xf32>
    %mul3A_16 = arith.mulf %add3A_12, %mul3A : vector<10000x128xf32>
    %get3A_17 = arith.constant 0 : index
    %get3A_18 = arith.constant 0 : index
    %get3A_19 = vector.load %arg3[%get3A_17, %get3A_18] : memref<1x128xf32, #tpu.memory_space<vmem>>, vector<1x128xf32>
    %add3A_20 = vector.broadcast %get3A_19 : vector<1x128xf32> to vector<10000x128xf32>
    %add3A_21 = arith.addf %mul3A_16, %add3A_20 : vector<10000x128xf32>
    %get3A_22 = arith.constant 0 : index
    %get3A_23 = arith.constant 0 : index
    %get3A_24 = vector.load %arg4[%get3A_22, %get3A_23] : memref<1x10000xi32, #tpu.memory_space<vmem>>, vector<1x10000xi32>
    %iota3A = tpu.iota {dimensions = array<i32: 0>} : vector<64x10000xi32>
    %eq3A = vector.broadcast %get3A_24 : vector<1x10000xi32> to vector<64x10000xi32>
    %eq3A_25 = arith.cmpi eq, %eq3A, %iota3A : vector<64x10000xi32>
    %convert_element_type3A = arith.extui %eq3A_25 : vector<64x10000xi1> to vector<64x10000xi32>
    %convert_element_type3A_26 = arith.sitofp %convert_element_type3A : vector<64x10000xi32> to vector<64x10000xf32>
    %dot_general3A = arith.constant dense<0.000000e+00> : vector<64x128xf32>
    %dot_general3A_27 = tpu.matmul %convert_element_type3A_26, %add3A_21, %dot_general3A {dimension_numbers = #tpu.dot_dimension_numbers<[1], [0], [0], [1], [0, 0, 1, 1], [], []>, precision = #tpu.contract_precision<fp32>, transpose_lhs_hint = false} : vector<64x10000xf32>, vector<10000x128xf32>, vector<64x128xf32> -> vector<64x128xf32>
    %reduce_sum3A = arith.constant dense<0.000000e+00> : vector<64xf32>
    %reduce_sum3A_28 = vector.multi_reduction <add>, %convert_element_type3A_26, %reduce_sum3A [1] : vector<64x10000xf32> to vector<64xf32>
    %broadcast_in_dim3A = vector.shape_cast %reduce_sum3A_28 : vector<64xf32> to vector<64x1xf32>
    %max3A = arith.constant 1.000000e+00 : f32
    %max3A_29 = vector.broadcast %max3A : f32 to vector<64x1xf32>
    %max3A_30 = arith.maximumf %broadcast_in_dim3A, %max3A_29 : vector<64x1xf32>
    %div3A = vector.broadcast %max3A_30 : vector<64x1xf32> to vector<64x128xf32>
    %div3A_31 = arith.divf %dot_general3A_27, %div3A : vector<64x128xf32>
    %convert_element_type3A_32 = arith.truncf %div3A_31 : vector<64x128xf32> to vector<64x128xbf16>
    %get3A_33 = arith.constant 0 : index
    %get3A_34 = arith.constant 0 : index
    %get3A_35 = vector.load %arg5[%get3A_33, %get3A_34] : memref<128x1xf32, #tpu.memory_space<vmem>>, vector<128x1xf32>
    %convert_element_type3A_36 = arith.truncf %get3A_35 : vector<128x1xf32> to vector<128x1xbf16>
    %dot_general3A_37 = arith.constant dense<0.000000e+00> : vector<64x1xf32>
    %dot_general3A_38 = tpu.matmul %convert_element_type3A_32, %convert_element_type3A_36, %dot_general3A_37 {dimension_numbers = #tpu.dot_dimension_numbers<[1], [0], [0], [1], [0, 0, 1, 1], [], []>, transpose_lhs_hint = false} : vector<64x128xbf16>, vector<128x1xbf16>, vector<64x1xf32> -> vector<64x1xf32>
    %get3A_39 = arith.constant 0 : index
    %get3A_40 = arith.constant 0 : index
    %get3A_41 = vector.load %arg6[%get3A_39, %get3A_40] : memref<1x1xf32, #tpu.memory_space<vmem>>, vector<1x1xf32>
    %add3A_42 = vector.broadcast %get3A_41 : vector<1x1xf32> to vector<64x1xf32>
    %add3A_43 = arith.addf %dot_general3A_38, %add3A_42 : vector<64x1xf32>
    %swap3A = arith.constant 0 : index
    %swap3A_44 = arith.constant 0 : index
    %swap3A_45 = vector.load %arg7[%swap3A, %swap3A_44] : memref<64x1xf32, #tpu.memory_space<vmem>>, vector<64x1xf32>
    tpu.vector_store %arg7[%swap3A, %swap3A_44], %add3A_43 {strides = array<i32>} : memref<64x1xf32, #tpu.memory_space<vmem>>, vector<64x1xf32>,
    return
  }
}

</mosaic_0001>

<sc_bundles>
// kernel: kernel.11.cloned.1.call-start
scs
__scs_entry_jumppad:
0x0: {  	(pc) =	sbr.rel $0x88, $3  }
0x1: {  	(tag) =	ssettag $0x0;
	lr =	simm.s32 $0x1  }
0x2: {  	[smem:$0x3F98] =	sst lr;
	_ =	strace $0xD0000000  }
0x3: {  	_ = 	snop  }
0x4: {  	_ = 	snop  }
0x5: {  	_ = 	snop  }
0x6: {  	_ = 	snop  }
0x7: {  	_ = 	snop  }
__scs_overlays_trampoline_lowered:
0x8: {  	[smem:$0x3FA7] =	sst s0  }
0x9: {  	[smem:$0x3FA8] =	sst s1  }
0xa: {  	[smem:$0x3FA9] =	sst s2  }
0xb: {  	[smem:$0x3FAA] =	sst s3  }
0xc: {  	[smem:$0x3FAB] =	sst s4  }
0xd: {  	[smem:$0x3FAC] =	sst s5  }
0xe: {  	[smem:$0x3FAD] =	sst s6  }
0xf: {  	[smem:$0x3FAE] =	sst s7  }
0x10: {  	[smem:$0x3FAF] =	sst s8  }
0x11: {  	[smem:$0x3FB0] =	sst s9;
	s0 =	simm.s32 @!p0 $0x0  }
0x12: {  	s1 =	sld [smem:$0x3F96];
	s0 =	simm.s32 @p0 $0x1  }
0x13: {  	[smem:$0x3FB1] =	sst s0;
	s0 =	simm.s32 @!p1 $0x0  }
0x14: {  	s2 =	sld [smem:$0x3F95];
	s0 =	simm.s32 @p1 $0x1  }
0x15: {  	[smem:$0x3FB2] =	sst s0;
	s0 =	simm.s32 @!p2 $0x0  }
0x16: {  	s3 =	sld [smem:$0x3FDB];
	s0 =	simm.s32 @p2 $0x1  }
0x17: {  	s4 =	simm.s32 $0x1BF5;
	[smem:$0x3FB4] =	sst s0  }
0x18: {  	s0 =	sld [smem:$0x3F97];
	_ =	swait.ge [sflag:s4], $0x0  }
0x19: {  	s7 =	sld [smem:$0x3F98]  }
0x1a: {  	s8 =	sadd.s32 $0xFFFFE003, lr  }
0x1b: {  	s9 =	sadd.s32 $0xFFFFFEF7, lr;
	s5 =	simm.s32 $0xFFFFFFFF;
	p2 =	slt.u32 s8, $0xFFFFF086  }
0x1c: {  	p1 =	slt.u32 s9, $0xF7A;
	s5 =	simm.s32 @!p2 $0x0  }
0x1d: {  	s5 =	simm.s32 @p1 $0x1;
	p0 =	seq.s32 s7, s2  }
0x1e: {  	s7 =	smul.u32 @!p0 $0xF7A, s2;
	p2 =	seq.s32 @!p0 s5, $0x0  }
0x1f: {  	s9 =	smul.u32 $0xF7A, s1;
	s8 =	simm.s32 @!p0 $0x1BF5;
	p2 =	por !p2, p0  }
0x20: {  	[sflag:s8] =	ssyncset.s32 @!p0 $0xFFFFF086;
	s6 =	sadd.s32 @!p0 s3, s7;
	s7 =	simm.s32 @!p0 $0x108  }
0x21: {  	s3 =	sadd.s32 s3, s9;
	s6 =	sadd.s32 @!p0 $0x88, s6;
	s7 =	simm.s32 @p2 $0x1082  }
0x22: {  	[simem:s7], [sflag:s8] =	dma.local @!p0 [hbm:s6], $0xF7A  }
0x23: {  	s9 =	sor.u32 $0xD0000000, s2;
	s6 =	simm.s32 $0x108;
	_ =	swait.ge @!p0 [sflag:s8], $0x0  }
0x24: {  	s3 =	sadd.s32 $0x88, s3;
	s6 =	simm.s32 @!p1 $0x1082;
	[sflag:s4] =	ssyncset.s32 $0xFFFFF086  }
0x25: {  	[simem:s6], [sflag:s4] =	dma.local [hbm:s3], $0xF7A  }
0x26: {  	[smem:$0x3F98] =	sst s1;
	(tag) =	ssettag s2;
	_ =	strace s9  }
0x27: {  	s1 =	sld [smem:$0x3FA8]  }
0x28: {  	s2 =	sld [smem:$0x3FA9]  }
0x29: {  	s4 =	sld [smem:$0x3FAB]  }
0x2a: {  	p0 =	seq.s32 s5, $0x0;
	s5 =	sld [smem:$0x3FAC]  }
0x2b: {  	s6 =	sld [smem:$0x3FAD]  }
0x2c: {  	s7 =	sld [smem:$0x3FAE]  }
0x2d: {  	s3 =	simm.s32 $0x108;
	s8 =	sld [smem:$0x3FAF]  }
0x2e: {  	s3 =	simm.s32 @!p0 $0x1082;
	s9 =	sld [smem:$0x3FB0]  }
0x2f: {  	lr =	sadd.s32 s0, s3;
	s0 =	sld [smem:$0x3FA7]  }
0x30: {  	s3 =	sld [smem:$0x3FAA]  }
0x31: {  	[smem:$0x3FB3] =	sst s10  }
0x32: {  	s10 =	sld [smem:$0x3FB1];
	_ =	sdelay $0x3  }
0x33: {  	p0 =	seq.s32 s10, $0x1;
	s10 =	sld [smem:$0x3FB3];
	_ =	sdelay $0x3  }
0x34: {  	[smem:$0x3FB3] =	sst s10  }
0x35: {  	s10 =	sld [smem:$0x3FB2];
	_ =	sdelay $0x3  }
0x36: {  	p1 =	seq.s32 s10, $0x1;
	s10 =	sld [smem:$0x3FB3];
	_ =	sdelay $0x3  }
0x37: {  	[smem:$0x3FB3] =	sst s10  }
0x38: {  	s10 =	sld [smem:$0x3FB4]  }
0x39: {  	_ = 	snop;
	(pc) =	sbr.ind lr, $3  }
0x3a: {  	_ = 	snop  }
0x3b: {  	_ = 	snop  }
0x3c: {  	p2 =	seq.s32 s10, $0x1;
	s10 =	sld [smem:$0x3FB3]  }
0x3d: {  	_ =	shalt  }
0x3e: {  	_ =	shalt  }
0x3f: {  	_ =	shalt  }
0x40: {  	_ =	shalt  }
0x41: {  	_ =	shalt  }
0x42: {  	_ =	shalt  }
0x43: {  	_ =	shalt  }
0x44: {  	_ =	shalt  }
0x45: {  	_ =	shalt  }
0x46: {  	_ =	shalt  }
0x47: {  	_ =	shalt  }
0x48: {  	_ =	shalt  }
0x49: {  	_ =	shalt  }
0x4a: {  	_ =	shalt  }
0x4b: {  	_ =	shalt  }
0x4c: {  	_ =	shalt  }
0x4d: {  	_ =	shalt  }
0x4e: {  	_ =	shalt  }
0x4f: {  	_ =	shalt  }
0x50: {  	_ =	shalt  }
0x51: {  	_ =	shalt  }
0x52: {  	_ =	shalt  }
0x53: {  	_ =	shalt  }
0x54: {  	_ =	shalt  }
0x55: {  	_ =	shalt  }
0x56: {  	_ =	shalt  }
0x57: {  	_ =	shalt  }
0x58: {  	_ =	shalt  }
0x59: {  	_ =	shalt  }
0x5a: {  	_ =	shalt  }
0x5b: {  	_ =	shalt  }
0x5c: {  	_ =	shalt  }
0x5d: {  	_ =	shalt  }
0x5e: {  	_ =	shalt  }
0x5f: {  	_ =	shalt  }
0x60: {  	_ =	shalt  }
0x61: {  	_ =	shalt  }
0x62: {  	_ =	shalt  }
0x63: {  	_ =	shalt  }
0x64: {  	_ =	shalt  }
0x65: {  	_ =	shalt  }
0x66: {  	_ =	shalt  }
0x67: {  	_ =	shalt  }
0x68: {  	_ =	shalt  }
0x69: {  	_ =	shalt  }
0x6a: {  	_ =	shalt  }
0x6b: {  	_ =	shalt  }
0x6c: {  	_ =	shalt  }
0x6d: {  	_ =	shalt  }
0x6e: {  	_ =	shalt  }
0x6f: {  	_ =	shalt  }
0x70: {  	_ =	shalt  }
0x71: {  	_ =	shalt  }
0x72: {  	_ =	shalt  }
0x73: {  	_ =	shalt  }
0x74: {  	_ =	shalt  }
0x75: {  	_ =	shalt  }
0x76: {  	_ =	shalt  }
0x77: {  	_ =	shalt  }
0x78: {  	_ =	shalt  }
0x79: {  	_ =	shalt  }
0x7a: {  	_ =	shalt  }
0x7b: {  	_ =	shalt  }
0x7c: {  	_ =	shalt  }
0x7d: {  	_ =	shalt  }
0x7e: {  	_ =	shalt  }
0x7f: {  	_ =	shalt  }
0x80: {  	_ =	shalt  }
0x81: {  	_ =	shalt  }
0x82: {  	_ =	shalt  }
0x83: {  	_ =	shalt  }
0x84: {  	_ =	shalt  }
0x85: {  	_ =	shalt  }
0x86: {  	_ =	shalt  }
0x87: {  	_ =	shalt  }
.Lfunc_end0:
.L_simem_size_0:
called_computation.1_lowered:
.L_overlay_start_0:
0x88: {  	s2 =	sld [smem:$0x3FD9]  }
0x89: {  	s3 =	sld [smem:$0x3FFE];
	_ =	sdelay $0x1  }
0x8a: {  	s1 =	srdreg.scid  }
0x8b: {  	s0 =	sand.u32 $0x1, s1  }
0x8c: {  	s16 =	sshll.u32 s0, $0xA;
	s2 =	sadd.s32 s3, s2  }
0x8d: {  	s2 =	sadd.s32 s2, s16  }
0x8e: {  	[smem:$0x3FBF] =	sst s2  }
0x8f: {  	_ = 	snop  }
0x90: {  	(tm) =	ssettm $0x1  }
0x91: {  	s17 =	sld [smem:$0x3FFB];
	_ =	sdelay $0x3  }
0x92: {  	_ =	strace s17  }
0x93: {  	s2 =	sld [smem:$0x3FFC];
	_ =	sdelay $0x3  }
0x94: {  	_ =	strace s2  }
0x95: {  	s2 =	sld [smem:$0x3FFD];
	_ =	sdelay $0x3  }
0x96: {  	_ =	strace s2  }
0x97: {  	_ =	strace $0x8FFFFFFF  }
0x98: {  	s18 =	sld [smem:$0x3FDB];
	_ =	sdelay $0x1  }
0x99: {  	s19 =	simm.s32 $_scs_section_size  }
0x9a: {  	s4 =	simm.s32 $_size__tile_overlayer_lowered;
	s5 =	simm.s32 $_tile_overlayer_lowered  }
0x9b: {  	s22 =	simm.s32 $0x1BFF;
	s21 =	sshll.u32 s5, $0x1;
	s2 =	sadd.s32 s19, s18  }
0x9c: {  	s6 =	simm.s32 $0x0;
	s20 =	sshll.u32 s4, $0x1;
	s4 =	sadd.s32 s21, s2  }
0x9d: {  	[timem:s6], [sflag:s22] =	dma.local [hbm:s4], s20  }
0x9e: {  	_ =	swait.ge [sflag:s22], s20  }
0x9f: {  	s3 =	ssub.s32 $0x0, s20;
	[sflag:s22] =	ssyncset.done $0x0  }
0xa0: {  	[sflag:s22] =	ssyncadd.s32 s3;
	_ =	sdelay $0x1  }
0xa1: {  	s23 =	simm.s32 $0x1B8B  }
0xa2: {  	_ =	swait.ge [sflag:s23], $0x1  }
0xa3: {  	[sflag:s23] =	ssyncset.done $0x0  }
0xa4: {  	s25 =	simm.s32 $0x1B8E;
	s24 =	sld [smem:$0x3FFE];
	[sflag:s23] =	ssyncadd.s32 $0xFFFFFFFF  }
0xa5: {  	s26 =	simm.s32 $execute0_lowered;
	[smem:$0x3FD2] =	sst s25  }
0xa6: {  	s4 =	sshll.u32 s26, $0x1;
	_ =	strace $0x80000049;
	[dreg:$0x1] =	wrdreg $0xFFFFFFFF  }
0xa7: {  	s28 =	simm.s32 $_size_execute0_lowered;
	s2 =	sadd.s32 s2, s4;
	[dreg:$0x0] =	wrdreg $0x0  }
0xa8: {  	s4 =	sshll.u32 s28, $0x1;
	[dreg:$0x2] =	wrdreg s2  }
0xa9: {  	[dreg:$0x3] =	wrdreg s4  }
0xaa: {  	[dreg:$0x4] =	wrdreg $0xC0  }
0xab: {  	_ =	task [dreg:s6], $0x5FFFF  }
0xac: {  	[dreg:$0x1] =	wrdreg $0xFFFFFFFF  }
0xad: {  	[dreg:$0x0] =	wrdreg $0x60  }
0xae: {  	[dreg:$0x2] =	wrdreg s24  }
0xaf: {  	[dreg:$0x3] =	wrdreg $0xA9000  }
0xb0: {  	[dreg:$0x4] =	wrdreg $0x9  }
0xb1: {  	_ =	task.clear_ibuf [dreg:s6], $0x5FFFF;
	_ =	strace $0x90000049  }
0xb2: {  	s29 =	simm.s32 $0x9;
	_ =	strace $0x8000004B  }
0xb3: {  	_ =	swait.ge [sflag:s29], $0x1  }
0xb4: {  	[sflag:s29] =	ssyncadd.s32 $0xFFFFFFFF  }
0xb5: {  	_ =	strace $0x9000004B  }
0xb6: {  	_ =	sfence  }
0xb7: {  	s30 =	sld [smem:$0x0];
	_ =	sdelay $0x2  }
0xb8: {  	s31 =	sshll.u32 s1, $0xD;
	s1 =	sshrl.u32 s1, $0x2  }
0xb9: {  	s3 =	sand.u32 $0x4000, s31;
	s1 =	sadd.s32 s1, s30  }
0xba: {  	s0 =	sor.u32 s3, s0;
	s1 =	sshll.u32 s1, $0x11  }
0xbb: {  	s0 =	sor.u32 s1, s0  }
0xbc: {  	s0 =	sadd.s32 $0x8F2B, s0  }
0xbd: {  	[sflag:s0] =	ssyncadd.remote.s32 $0x1  }
0xbe: {  	_ =	sfence.sel $0xFFFF  }
0xbf: {  	[dreg:$0x0] =	wrdreg $0xFFFFFFFF;
	(pc) =	sbr.abs _section_cstart, $3  }
0xc0: {  	[dreg:$0x1] =	wrdreg $0xFFFFFFFF  }
0xc1: {  	_ =	task.clear_ibuf [dreg:s6], $0x2FFFF;
	_ =	strace $0x9FFFFFFF  }
0xc2: {  	(tm) =	ssettm $0x7FFFFFFF  }
0xc3: {  	_ =	shalt  }
tec
execute0_lowered:
.L_overlay_start_1:
0x0: {  	(tag) =	ssettag $0x1  }
0x1: {  	s0 =	rddreg [dreg:$0x0]  }
0x2: {  	s1 =	srdreg.scid;
	s12 =	stileid.u32  }
0x3: {  	s2 =	rddreg [dreg:$0x1];
	s3 =	simm.s32 $0x0;
	s28 =	simm.s32 $0x1  }
0x4: {  	s29 =	simm.s32 $0x2;
	s30 =	simm.s32 $0x0;
	s9 =	smul.u32 $0x4F000, s12  }
0x5: {  	s1 =	sand.u32 $0x1, s1;
	s4 =	sshll.u32 s12, $0x1;
	s11 =	smul.u32 $0x13C00, s12  }
0x6: {  	[smem:$0x7FF] =	sst s3;
	s6 =	sadd.s32 $0x16C00, s0;
	s17 =	smul.u32 $0x13C000, s1  }
0x7: {  	s4 =	sor.u32 s1, s4;
	s8 =	ssub.s32 $0x2, s1;
	s1 =	smul.u32 $0x500, s1  }
0x8: {  	s25 =	sshll.u32 s12, $0x6;
	_ =	strace $0x8000004A;
	s5 =	smul.u32 $0x500, s4  }
0x9: {  	s4 =	sadd.s32 $0x17400, s0;
	s10 =	sshrl.u32 s8, $0x1;
	s24 =	sshrl.u32 s9, $0x2  }
0xa: {  	s13 =	sadd.s32 $0x4000, s11;
	s31 =	sadd.s32 $0x8000, s11;
	s16 =	sadd.s32 $0xC000, s11  }
0xb: {  	s18 =	sadd.s32 $0x10000, s11;
	s10 =	ssub.s32 s8, s10;
	s8 =	sadd.s32 s24, s2  }
0xc: {  	s26 =	sadd.s32 s13, s2;
	s14 =	sadd.s32 s31, s2;
	s19 =	sadd.s32 s16, s2  }
0xd: {  	s20 =	sadd.s32 s18, s2;
	s11 =	sadd.s32 s11, s17;
	[dreg:$0x3] =	wrdreg s8  }
0xe: {  	s21 =	sadd.s32 s17, s13;
	s24 =	sadd.s32 s17, s31;
	[dreg:$0x4] =	wrdreg s26  }
0xf: {  	s18 =	sadd.s32 s17, s18;
	s7 =	sadd.s32 s5, s0;
	[dreg:$0x5] =	wrdreg s14  }
0x10: {  	s5 =	sadd.s32 $0x2C00, s0;
	s0 =	sadd.s32 $0x3EC00, s0;
	[dreg:$0x6] =	wrdreg s19  }
0x11: {  	s8 =	sor.u32 $0x1C03, s25;
	[dreg:$0x7] =	wrdreg s20;
	s22 =	sshrl.u32 s11, $0x3  }
0x12: {  	s23 =	sshrl.u32 s21, $0x3;
	s25 =	sadd.s32 s17, s16;
	s26 =	smul.u32 $0xA00, s12  }
0x13: {  	s31 =	sshrl.u32 s18, $0x3;
	s19 =	smax.u32 s10, $0x1;
	s21 =	simm.s32 $0x3  }
0x14: {  	s7 =	sadd.s32 $0xCC00, s7;
	s14 =	sadd.s32 s0, s22;
	s15 =	sadd.s32 s0, s23  }
0x15: {  	s9 =	sshrl.u32 s25, $0x3;
	s18 =	sadd.s32 s0, s31;
	s22 =	simm.s32 $0x80  }
0x16: {  	s23 =	simm.s32 $0x2900;
	s25 =	simm.s32 $0x2800;
	[dreg:$0x8] =	wrdreg s7  }
0x17: {  	s7 =	sshrl.u32 s24, $0x3;
	s17 =	sadd.s32 s0, s9;
	s20 =	sadd.s32 s1, s26  }
0x18: {  	s24 =	simm.s32 $0x6900;
	s26 =	simm.s32 $0x2880;
	s16 =	sadd.s32 s0, s7  }
.LBB2_1:
0x19: {  	s0 =	rddreg [dreg:$0x3]  }
0x1a: {  	s31 =	sshrl.u32 s0, $0x3  }
0x1b: {  	[spmem:s31], [sflag:s8] =	dma.local [hbm:s6], $0x800  }
0x1c: {  	_ =	swait.ge [sflag:s21], $0x800  }
0x1d: {  	[sflag:s21] =	ssyncset.done $0x0;
	s10 =	rddreg [dreg:$0x4]  }
0x1e: {  	[sflag:s21] =	ssyncadd.s32 $0xFFFFF800;
	s1 =	sshrl.u32 s10, $0x3  }
0x1f: {  	[spmem:s1], [sflag:s8] =	dma.local [hbm:s6], $0x800  }
0x20: {  	_ =	swait.ge [sflag:s21], $0x800  }
0x21: {  	[sflag:s21] =	ssyncset.done $0x0;
	s11 =	rddreg [dreg:$0x5]  }
0x22: {  	[sflag:s21] =	ssyncadd.s32 $0xFFFFF800;
	s0 =	sshrl.u32 s11, $0x3  }
0x23: {  	[spmem:s0], [sflag:s8] =	dma.local [hbm:s6], $0x800  }
0x24: {  	_ =	swait.ge [sflag:s21], $0x800  }
0x25: {  	[sflag:s21] =	ssyncset.done $0x0;
	s7 =	rddreg [dreg:$0x6]  }
0x26: {  	[sflag:s21] =	ssyncadd.s32 $0xFFFFF800;
	s7 =	sshrl.u32 s7, $0x3  }
0x27: {  	[spmem:s7], [sflag:s8] =	dma.local [hbm:s6], $0x800  }
0x28: {  	_ =	swait.ge [sflag:s21], $0x800  }
0x29: {  	[sflag:s21] =	ssyncset.done $0x0;
	s9 =	rddreg [dreg:$0x7]  }
0x2a: {  	[sflag:s21] =	ssyncadd.s32 $0xFFFFF800;
	s9 =	sshrl.u32 s9, $0x3  }
0x2b: {  	[spmem:s9], [sflag:s8] =	dma.local [hbm:s6], $0x780  }
0x2c: {  	_ =	swait.ge [sflag:s21], $0x780  }
0x2d: {  	[sflag:s21] =	ssyncset.done $0x0  }
0x2e: {  	s10 =	rddreg [dreg:$0x8];
	[sflag:s21] =	ssyncadd.s32 $0xFFFFF880  }
0x2f: {  	[tilespmem:s3], [sflag:$0x3] =	stream.linear.gather [hbm4b:s10+s3], $0x2800, $0x38;
	[tilespmem:$0x1E500] =	vst v63  }
0x30: {  	_ =	swait.ge [sflag:s21], $0x2800  }
0x31: {  	[sflag:s21] =	ssyncset.done $0x0  }
0x32: {  	s12 =	simm.s32 $0x0;
	[sflag:s21] =	ssyncadd.s32 $0xFFFFD800  }
0x33: {  	s13 =	sadd.s32 $0x0, s20;
	s11 =	sand.u32 $0x60, s3;
	[bflag:$0x0] =	sbarrier.arrive $0xFFFF  }
0x34: {  	[tilespmem:s23], [sflag:$0x1] =	stream.indirect.gather [hbm4b:s4+s22], $0x80, s12, s22, $0xb8;
	[tilespmem:$0x1E500] =	vst v63  }
0x35: {  	s11 =	sadd.s32 s5, s11;
	s10 =	sand.u32 $0x1FF80, s13  }
0x36: {  	[tilespmem:s24], [sflag:$0x2] =	stream.indirect.gather [hbm4b:s4+s22], $0x80, s22, s22, $0xb8;
	[tilespmem:$0x1E500] =	vst v63  }
0x37: {  	s10 =	sadd.s32 s10, s11  }
0x38: {  	[tilespmem:s25], [sflag:$0x3] =	stream.linear.gather [hbm4b:s10+s3], $0x80, $0x38;
	[tilespmem:$0x1E500] =	vst v63  }
0x39: {  	_ =	swait.ge [sflag:s21], $0x80  }
0x3a: {  	[sflag:s21] =	ssyncset.done $0x0  }
0x3b: {  	s10 =	sadd.s32 $0x10, s10;
	[sflag:s21] =	ssyncadd.s32 $0xFFFFFF80  }
0x3c: {  	[tilespmem:s26], [sflag:$0x3] =	stream.linear.gather [hbm4b:s10+s3], $0x80, $0x38;
	[tilespmem:$0x1E500] =	vst v63  }
0x3d: {  	_ =	swait.ge [sflag:s21], $0x80  }
0x3e: {  	[sflag:s21] =	ssyncset.done $0x0  }
0x3f: {  	[sflag:s21] =	ssyncadd.s32 $0xFFFFFF80  }
0x40: {  	_ =	swait.ge [sflag:s28], $0x4000  }
0x41: {  	[sflag:s28] =	ssyncset.done $0x0  }
0x42: {  	[sflag:s28] =	ssyncadd.s32 $0xFFFFC000  }
0x43: {  	[spmem:s2] =	stream.indirect.scatter.add.f32 [tilespmem:s23], [sflag:$0x3], $0x80, s25, s22, $0xb8;
	[tilespmem:$0x1E500] =	vst v63  }
0x44: {  	_ =	swait.ge [sflag:s21], $0x4000  }
0x45: {  	[sflag:s21] =	ssyncset.done $0x0  }
0x46: {  	[sflag:s21] =	ssyncadd.s32 $0xFFFFC000  }
0x47: {  	_ =	swait.ge [sflag:s29], $0x4000  }
0x48: {  	[sflag:s29] =	ssyncset.done $0x0  }
0x49: {  	[sflag:s29] =	ssyncadd.s32 $0xFFFFC000  }
0x4a: {  	[spmem:s2] =	stream.indirect.scatter.add.f32 [tilespmem:s24], [sflag:$0x3], $0x80, s26, s22, $0xb8;
	[tilespmem:$0x1E500] =	vst v63  }
0x4b: {  	s11 =	simm.s32 $0x80;
	s10 =	simm.s32 $0x20;
	_ =	swait.ge [sflag:s21], $0x4000  }
.LBB2_2:
0x4c: {  	p0 =	sne.s32 s10, $0x4E0  }
0x4d: {  	[sflag:s21] =	ssyncset.done $0x0;
	s11 =	sadd.s32 $0x100, s11;
	s12 =	smov.u32 s10  }
0x4e: {  	s10 =	sadd.s32 $0x20, s10;
	s13 =	sadd.s32 $0xFFFFFF80, s11;
	[sflag:s21] =	ssyncadd.s32 $0xFFFFC000  }
0x4f: {  	[tilespmem:s23], [sflag:$0x1] =	stream.indirect.gather [hbm4b:s4+s22], $0x80, s13, s22, $0xb8;
	[tilespmem:$0x1E500] =	vst v63  }
0x50: {  	s13 =	sadd.s32 s12, s20;
	s12 =	sand.u32 $0x60, s12  }
0x51: {  	s13 =	sand.u32 $0x1FF80, s13;
	s12 =	sadd.s32 s5, s12  }
0x52: {  	[tilespmem:s24], [sflag:$0x2] =	stream.indirect.gather [hbm4b:s4+s22], $0x80, s11, s22, $0xb8;
	[tilespmem:$0x1E500] =	vst v63  }
0x53: {  	s12 =	sadd.s32 s13, s12  }
0x54: {  	[tilespmem:s25], [sflag:$0x3] =	stream.linear.gather [hbm4b:s12+s3], $0x80, $0x38;
	[tilespmem:$0x1E500] =	vst v63  }
0x55: {  	_ =	swait.ge [sflag:s21], $0x80  }
0x56: {  	s12 =	sadd.s32 $0x10, s12;
	[sflag:s21] =	ssyncset.done $0x0  }
0x57: {  	[sflag:s21] =	ssyncadd.s32 $0xFFFFFF80  }
0x58: {  	[tilespmem:s26], [sflag:$0x3] =	stream.linear.gather [hbm4b:s12+s3], $0x80, $0x38;
	[tilespmem:$0x1E500] =	vst v63  }
0x59: {  	_ =	swait.ge [sflag:s21], $0x80  }
0x5a: {  	[sflag:s21] =	ssyncset.done $0x0  }
0x5b: {  	[sflag:s21] =	ssyncadd.s32 $0xFFFFFF80  }
0x5c: {  	_ =	swait.ge [sflag:s28], $0x4000  }
0x5d: {  	[sflag:s28] =	ssyncset.done $0x0  }
0x5e: {  	[sflag:s28] =	ssyncadd.s32 $0xFFFFC000  }
0x5f: {  	[spmem:s2] =	stream.indirect.scatter.add.f32 [tilespmem:s23], [sflag:$0x3], $0x80, s25, s22, $0xb8;
	[tilespmem:$0x1E500] =	vst v63  }
0x60: {  	_ =	swait.ge [sflag:s21], $0x4000  }
0x61: {  	[sflag:s21] =	ssyncset.done $0x0  }
0x62: {  	[sflag:s21] =	ssyncadd.s32 $0xFFFFC000  }
.Ltmp0:
0x63: {  	_ =	swait.ge [sflag:s29], $0x4000;
	(pc) =	sbr.rel @p0 .LBB2_2-.Ltmp0, $4  }
0x64: {  	[sflag:s29] =	ssyncset.done $0x0  }
0x65: {  	[sflag:s29] =	ssyncadd.s32 $0xFFFFC000  }
0x66: {  	[spmem:s2] =	stream.indirect.scatter.add.f32 [tilespmem:s24], [sflag:$0x3], $0x80, s26, s22, $0xb8;
	[tilespmem:$0x1E500] =	vst v63  }
0x67: {  	_ =	swait.ge [sflag:s21], $0x4000  }
0x68: {  	[sflag:s21] =	ssyncset.done $0x0  }
0x69: {  	[sflag:s21] =	ssyncadd.s32 $0xFFFFC000  }
0x6a: {  	[bflag:$0x0] =	sbarrier.arrive $0xFFFF  }
0x6b: {  	[hbm:s14], [sflag:s8] =	dma.local [spmem:s31], $0x800  }
0x6c: {  	_ =	swait.ge [sflag:s21], $0x800  }
0x6d: {  	[sflag:s21] =	ssyncset.done $0x0  }
0x6e: {  	[sflag:s21] =	ssyncadd.s32 $0xFFFFF800  }
0x6f: {  	[hbm:s15], [sflag:s8] =	dma.local [spmem:s1], $0x800  }
0x70: {  	_ =	swait.ge [sflag:s21], $0x800  }
0x71: {  	[sflag:s21] =	ssyncset.done $0x0  }
0x72: {  	[sflag:s21] =	ssyncadd.s32 $0xFFFFF800  }
0x73: {  	[hbm:s16], [sflag:s8] =	dma.local [spmem:s0], $0x800  }
0x74: {  	_ =	swait.ge [sflag:s21], $0x800  }
0x75: {  	[sflag:s21] =	ssyncset.done $0x0  }
0x76: {  	[sflag:s21] =	ssyncadd.s32 $0xFFFFF800  }
0x77: {  	[hbm:s17], [sflag:s8] =	dma.local [spmem:s7], $0x800  }
0x78: {  	s30 =	sadd.s32 $0x1, s30;
	_ =	swait.ge [sflag:s21], $0x800  }
0x79: {  	p0 =	sne.s32 s30, s19;
	[sflag:s21] =	ssyncset.done $0x0  }
.Ltmp1:
0x7a: {  	[sflag:s21] =	ssyncadd.s32 $0xFFFFF800;
	(pc) =	sbr.rel @p0 .LBB2_1-.Ltmp1, $4  }
0x7b: {  	[hbm:s18], [sflag:s8] =	dma.local [spmem:s9], $0x780  }
0x7c: {  	_ =	swait.ge [sflag:s21], $0x780  }
0x7d: {  	[sflag:s21] =	ssyncset.done $0x0  }
0x7e: {  	[sflag:s21] =	ssyncadd.s32 $0xFFFFF880  }
0x7f: {  	_ =	sfence.sel $0x180000  }
0x80: {  	[bflag:$0x0] =	sbarrier.arrive $0xFFFF  }
0x81: {  	_ =	strace $0x9000004A  }
0x82: {  	s0 =	stileid.u32;
	[bflag:$0x2] =	sbarrier.arrive $0xFFFF  }
0x83: {  	p0 =	sne.s32 s0, $0x0;
	s0 =	rddreg [dreg:$0x2]  }
0x84: {  	s0 =	sadd.s32 @!p0 $0x100000, s0  }
0x85: {  	[sflag:s0] =	ssyncadd.tile.s32 @!p0 $0x1;
	_ =	shalt  }
.Lfunc_end2:
_tile_overlayer_lowered:
.L_overlay_start_2:
0x86: {  	(tag) =	ssettag $0x2  }
0x87: {  	s0 =	rddreg [dreg:$0x0];
	s2 =	stileid.u32  }
0x88: {  	s1 =	rddreg [dreg:$0x1];
	p0 =	sne.s32 s2, $0x0  }
0x89: {  	s3 =	rddreg [dreg:$0x2];
	[bflag:$0x3] =	sbarrier.arrive $0xFFFF;
	s2 =	simm.s32 @!p0 $0x1C03  }
0x8a: {  	[timem:s3], [sflag:s2] =	dma.local @!p0 [hbm:s0], s1  }
0x8b: {  	s0 =	simm.s32 @!p0 $0x3  }
0x8c: {  	_ =	swait.ge @!p0 [sflag:s0], s1  }
0x8d: {  	s1 =	ssub.s32 @!p0 $0x0, s1;
	[sflag:s0] =	ssyncset.done @!p0 $0x0  }
0x8e: {  	[sflag:s0] =	ssyncadd.s32 @!p0 s1  }
0x8f: {  	[bflag:$0x3] =	sbarrier.arrive $0xFFFF  }
0x90: {  	_ =	shalt  }

// kernel: kernel.14.cloned.1.call-start
scs
__scs_entry_jumppad:
0x0: {  	(pc) =	sbr.rel $0x88, $3  }
0x1: {  	(tag) =	ssettag $0x0;
	lr =	simm.s32 $0x1  }
0x2: {  	[smem:$0x3F98] =	sst lr;
	_ =	strace $0xD0000000  }
0x3: {  	_ = 	snop  }
0x4: {  	_ = 	snop  }
0x5: {  	_ = 	snop  }
0x6: {  	_ = 	snop  }
0x7: {  	_ = 	snop  }
__scs_overlays_trampoline_lowered:
0x8: {  	[smem:$0x3FA7] =	sst s0  }
0x9: {  	[smem:$0x3FA8] =	sst s1  }
0xa: {  	[smem:$0x3FA9] =	sst s2  }
0xb: {  	[smem:$0x3FAA] =	sst s3  }
0xc: {  	[smem:$0x3FAB] =	sst s4  }
0xd: {  	[smem:$0x3FAC] =	sst s5  }
0xe: {  	[smem:$0x3FAD] =	sst s6  }
0xf: {  	[smem:$0x3FAE] =	sst s7  }
0x10: {  	[smem:$0x3FAF] =	sst s8  }
0x11: {  	[smem:$0x3FB0] =	sst s9;
	s0 =	simm.s32 @!p0 $0x0  }
0x12: {  	s1 =	sld [smem:$0x3F96];
	s0 =	simm.s32 @p0 $0x1  }
0x13: {  	[smem:$0x3FB1] =	sst s0;
	s0 =	simm.s32 @!p1 $0x0  }
0x14: {  	s2 =	sld [smem:$0x3F95];
	s0 =	simm.s32 @p1 $0x1  }
0x15: {  	[smem:$0x3FB2] =	sst s0;
	s0 =	simm.s32 @!p2 $0x0  }
0x16: {  	s3 =	sld [smem:$0x3FDB];
	s0 =	simm.s32 @p2 $0x1  }
0x17: {  	s4 =	simm.s32 $0x1BF5;
	[smem:$0x3FB4] =	sst s0  }
0x18: {  	s0 =	sld [smem:$0x3F97];
	_ =	swait.ge [sflag:s4], $0x0  }
0x19: {  	s7 =	sld [smem:$0x3F98]  }
0x1a: {  	s8 =	sadd.s32 $0xFFFFE003, lr  }
0x1b: {  	s9 =	sadd.s32 $0xFFFFFEF7, lr;
	s5 =	simm.s32 $0xFFFFFFFF;
	p2 =	slt.u32 s8, $0xFFFFF086  }
0x1c: {  	p1 =	slt.u32 s9, $0xF7A;
	s5 =	simm.s32 @!p2 $0x0  }
0x1d: {  	s5 =	simm.s32 @p1 $0x1;
	p0 =	seq.s32 s7, s2  }
0x1e: {  	s7 =	smul.u32 @!p0 $0xF7A, s2;
	p2 =	seq.s32 @!p0 s5, $0x0  }
0x1f: {  	s9 =	smul.u32 $0xF7A, s1;
	s8 =	simm.s32 @!p0 $0x1BF5;
	p2 =	por !p2, p0  }
0x20: {  	[sflag:s8] =	ssyncset.s32 @!p0 $0xFFFFF086;
	s6 =	sadd.s32 @!p0 s3, s7;
	s7 =	simm.s32 @!p0 $0x108  }
0x21: {  	s3 =	sadd.s32 s3, s9;
	s6 =	sadd.s32 @!p0 $0x88, s6;
	s7 =	simm.s32 @p2 $0x1082  }
0x22: {  	[simem:s7], [sflag:s8] =	dma.local @!p0 [hbm:s6], $0xF7A  }
0x23: {  	s9 =	sor.u32 $0xD0000000, s2;
	s6 =	simm.s32 $0x108;
	_ =	swait.ge @!p0 [sflag:s8], $0x0  }
0x24: {  	s3 =	sadd.s32 $0x88, s3;
	s6 =	simm.s32 @!p1 $0x1082;
	[sflag:s4] =	ssyncset.s32 $0xFFFFF086  }
0x25: {  	[simem:s6], [sflag:s4] =	dma.local [hbm:s3], $0xF7A  }
0x26: {  	[smem:$0x3F98] =	sst s1;
	(tag) =	ssettag s2;
	_ =	strace s9  }
0x27: {  	s1 =	sld [smem:$0x3FA8]  }
0x28: {  	s2 =	sld [smem:$0x3FA9]  }
0x29: {  	s4 =	sld [smem:$0x3FAB]  }
0x2a: {  	p0 =	seq.s32 s5, $0x0;
	s5 =	sld [smem:$0x3FAC]  }
0x2b: {  	s6 =	sld [smem:$0x3FAD]  }
0x2c: {  	s7 =	sld [smem:$0x3FAE]  }
0x2d: {  	s3 =	simm.s32 $0x108;
	s8 =	sld [smem:$0x3FAF]  }
0x2e: {  	s3 =	simm.s32 @!p0 $0x1082;
	s9 =	sld [smem:$0x3FB0]  }
0x2f: {  	lr =	sadd.s32 s0, s3;
	s0 =	sld [smem:$0x3FA7]  }
0x30: {  	s3 =	sld [smem:$0x3FAA]  }
0x31: {  	[smem:$0x3FB3] =	sst s10  }
0x32: {  	s10 =	sld [smem:$0x3FB1];
	_ =	sdelay $0x3  }
0x33: {  	p0 =	seq.s32 s10, $0x1;
	s10 =	sld [smem:$0x3FB3];
	_ =	sdelay $0x3  }
0x34: {  	[smem:$0x3FB3] =	sst s10  }
0x35: {  	s10 =	sld [smem:$0x3FB2];
	_ =	sdelay $0x3  }
0x36: {  	p1 =	seq.s32 s10, $0x1;
	s10 =	sld [smem:$0x3FB3];
	_ =	sdelay $0x3  }
0x37: {  	[smem:$0x3FB3] =	sst s10  }
0x38: {  	s10 =	sld [smem:$0x3FB4]  }
0x39: {  	_ = 	snop;
	(pc) =	sbr.ind lr, $3  }
0x3a: {  	_ = 	snop  }
0x3b: {  	_ = 	snop  }
0x3c: {  	p2 =	seq.s32 s10, $0x1;
	s10 =	sld [smem:$0x3FB3]  }
0x3d: {  	_ =	shalt  }
0x3e: {  	_ =	shalt  }
0x3f: {  	_ =	shalt  }
0x40: {  	_ =	shalt  }
0x41: {  	_ =	shalt  }
0x42: {  	_ =	shalt  }
0x43: {  	_ =	shalt  }
0x44: {  	_ =	shalt  }
0x45: {  	_ =	shalt  }
0x46: {  	_ =	shalt  }
0x47: {  	_ =	shalt  }
0x48: {  	_ =	shalt  }
0x49: {  	_ =	shalt  }
0x4a: {  	_ =	shalt  }
0x4b: {  	_ =	shalt  }
0x4c: {  	_ =	shalt  }
0x4d: {  	_ =	shalt  }
0x4e: {  	_ =	shalt  }
0x4f: {  	_ =	shalt  }
0x50: {  	_ =	shalt  }
0x51: {  	_ =	shalt  }
0x52: {  	_ =	shalt  }
0x53: {  	_ =	shalt  }
0x54: {  	_ =	shalt  }
0x55: {  	_ =	shalt  }
0x56: {  	_ =	shalt  }
0x57: {  	_ =	shalt  }
0x58: {  	_ =	shalt  }
0x59: {  	_ =	shalt  }
0x5a: {  	_ =	shalt  }
0x5b: {  	_ =	shalt  }
0x5c: {  	_ =	shalt  }
0x5d: {  	_ =	shalt  }
0x5e: {  	_ =	shalt  }
0x5f: {  	_ =	shalt  }
0x60: {  	_ =	shalt  }
0x61: {  	_ =	shalt  }
0x62: {  	_ =	shalt  }
0x63: {  	_ =	shalt  }
0x64: {  	_ =	shalt  }
0x65: {  	_ =	shalt  }
0x66: {  	_ =	shalt  }
0x67: {  	_ =	shalt  }
0x68: {  	_ =	shalt  }
0x69: {  	_ =	shalt  }
0x6a: {  	_ =	shalt  }
0x6b: {  	_ =	shalt  }
0x6c: {  	_ =	shalt  }
0x6d: {  	_ =	shalt  }
0x6e: {  	_ =	shalt  }
0x6f: {  	_ =	shalt  }
0x70: {  	_ =	shalt  }
0x71: {  	_ =	shalt  }
0x72: {  	_ =	shalt  }
0x73: {  	_ =	shalt  }
0x74: {  	_ =	shalt  }
0x75: {  	_ =	shalt  }
0x76: {  	_ =	shalt  }
0x77: {  	_ =	shalt  }
0x78: {  	_ =	shalt  }
0x79: {  	_ =	shalt  }
0x7a: {  	_ =	shalt  }
0x7b: {  	_ =	shalt  }
0x7c: {  	_ =	shalt  }
0x7d: {  	_ =	shalt  }
0x7e: {  	_ =	shalt  }
0x7f: {  	_ =	shalt  }
0x80: {  	_ =	shalt  }
0x81: {  	_ =	shalt  }
0x82: {  	_ =	shalt  }
0x83: {  	_ =	shalt  }
0x84: {  	_ =	shalt  }
0x85: {  	_ =	shalt  }
0x86: {  	_ =	shalt  }
0x87: {  	_ =	shalt  }
.Lfunc_end0:
.L_simem_size_0:
called_computation.2_lowered:
.L_overlay_start_0:
0x88: {  	s2 =	sld [smem:$0x3FD9]  }
0x89: {  	s3 =	sld [smem:$0x3FFE];
	_ =	sdelay $0x1  }
0x8a: {  	s1 =	srdreg.scid  }
0x8b: {  	s0 =	sand.u32 $0x1, s1  }
0x8c: {  	s16 =	sshll.u32 s0, $0xA;
	s2 =	sadd.s32 s3, s2  }
0x8d: {  	s2 =	sadd.s32 s2, s16  }
0x8e: {  	[smem:$0x3FBF] =	sst s2  }
0x8f: {  	_ = 	snop  }
0x90: {  	(tm) =	ssettm $0x1  }
0x91: {  	s17 =	sld [smem:$0x3FFB];
	_ =	sdelay $0x3  }
0x92: {  	_ =	strace s17  }
0x93: {  	s2 =	sld [smem:$0x3FFC];
	_ =	sdelay $0x3  }
0x94: {  	_ =	strace s2  }
0x95: {  	s2 =	sld [smem:$0x3FFD];
	_ =	sdelay $0x3  }
0x96: {  	_ =	strace s2  }
0x97: {  	_ =	strace $0x8FFFFFFF  }
0x98: {  	s18 =	sld [smem:$0x3FDB];
	_ =	sdelay $0x1  }
0x99: {  	s19 =	simm.s32 $_scs_section_size  }
0x9a: {  	s4 =	simm.s32 $_size__tile_overlayer_lowered;
	s5 =	simm.s32 $_tile_overlayer_lowered  }
0x9b: {  	s22 =	simm.s32 $0x1BFF;
	s21 =	sshll.u32 s5, $0x1;
	s2 =	sadd.s32 s19, s18  }
0x9c: {  	s6 =	simm.s32 $0x0;
	s20 =	sshll.u32 s4, $0x1;
	s4 =	sadd.s32 s21, s2  }
0x9d: {  	[timem:s6], [sflag:s22] =	dma.local [hbm:s4], s20  }
0x9e: {  	_ =	swait.ge [sflag:s22], s20  }
0x9f: {  	s3 =	ssub.s32 $0x0, s20;
	[sflag:s22] =	ssyncset.done $0x0  }
0xa0: {  	[sflag:s22] =	ssyncadd.s32 s3;
	_ =	sdelay $0x1  }
0xa1: {  	s23 =	simm.s32 $0x1B8B  }
0xa2: {  	_ =	swait.ge [sflag:s23], $0x1  }
0xa3: {  	[sflag:s23] =	ssyncset.done $0x0  }
0xa4: {  	s25 =	simm.s32 $0x1B8E;
	s24 =	sld [smem:$0x3FFE];
	[sflag:s23] =	ssyncadd.s32 $0xFFFFFFFF  }
0xa5: {  	s26 =	simm.s32 $execute0_lowered;
	[smem:$0x3FD2] =	sst s25  }
0xa6: {  	s4 =	sshll.u32 s26, $0x1;
	_ =	strace $0x8000004C;
	[dreg:$0x1] =	wrdreg $0xFFFFFFFF  }
0xa7: {  	s28 =	simm.s32 $_size_execute0_lowered;
	s2 =	sadd.s32 s2, s4;
	[dreg:$0x0] =	wrdreg $0x0  }
0xa8: {  	s4 =	sshll.u32 s28, $0x1;
	[dreg:$0x2] =	wrdreg s2  }
0xa9: {  	[dreg:$0x3] =	wrdreg s4  }
0xaa: {  	[dreg:$0x4] =	wrdreg $0xC0  }
0xab: {  	_ =	task [dreg:s6], $0x5FFFF  }
0xac: {  	[dreg:$0x1] =	wrdreg $0xFFFFFFFF  }
0xad: {  	[dreg:$0x0] =	wrdreg $0x60  }
0xae: {  	[dreg:$0x2] =	wrdreg s24  }
0xaf: {  	[dreg:$0x3] =	wrdreg $0xA9000  }
0xb0: {  	[dreg:$0x4] =	wrdreg $0x9  }
0xb1: {  	_ =	task.clear_ibuf [dreg:s6], $0x5FFFF;
	_ =	strace $0x9000004C  }
0xb2: {  	s29 =	simm.s32 $0x9;
	_ =	strace $0x8000004E  }
0xb3: {  	_ =	swait.ge [sflag:s29], $0x1  }
0xb4: {  	[sflag:s29] =	ssyncadd.s32 $0xFFFFFFFF  }
0xb5: {  	_ =	strace $0x9000004E  }
0xb6: {  	_ =	sfence  }
0xb7: {  	s30 =	sld [smem:$0x0];
	_ =	sdelay $0x2  }
0xb8: {  	s31 =	sshll.u32 s1, $0xD;
	s1 =	sshrl.u32 s1, $0x2  }
0xb9: {  	s3 =	sand.u32 $0x4000, s31;
	s1 =	sadd.s32 s1, s30  }
0xba: {  	s0 =	sor.u32 s3, s0;
	s1 =	sshll.u32 s1, $0x11  }
0xbb: {  	s0 =	sor.u32 s1, s0  }
0xbc: {  	s0 =	sadd.s32 $0x8F2B, s0  }
0xbd: {  	[sflag:s0] =	ssyncadd.remote.s32 $0x1  }
0xbe: {  	_ =	sfence.sel $0xFFFF  }
0xbf: {  	[dreg:$0x0] =	wrdreg $0xFFFFFFFF;
	(pc) =	sbr.abs _section_cstart, $3  }
0xc0: {  	[dreg:$0x1] =	wrdreg $0xFFFFFFFF  }
0xc1: {  	_ =	task.clear_ibuf [dreg:s6], $0x2FFFF;
	_ =	strace $0x9FFFFFFF  }
0xc2: {  	(tm) =	ssettm $0x7FFFFFFF  }
0xc3: {  	_ =	shalt  }
tec
execute0_lowered:
.L_overlay_start_1:
0x0: {  	(tag) =	ssettag $0x1  }
0x1: {  	s0 =	rddreg [dreg:$0x0]  }
0x2: {  	s1 =	srdreg.scid;
	s12 =	stileid.u32  }
0x3: {  	s2 =	rddreg [dreg:$0x1];
	s3 =	simm.s32 $0x0;
	s28 =	simm.s32 $0x1  }
0x4: {  	s29 =	simm.s32 $0x2;
	s30 =	simm.s32 $0x0;
	s9 =	smul.u32 $0x4F000, s12  }
0x5: {  	s1 =	sand.u32 $0x1, s1;
	s4 =	sshll.u32 s12, $0x1;
	s11 =	smul.u32 $0x13C00, s12  }
0x6: {  	[smem:$0x7FF] =	sst s3;
	s6 =	sadd.s32 $0x16C00, s0;
	s17 =	smul.u32 $0x13C000, s1  }
0x7: {  	s4 =	sor.u32 s1, s4;
	s8 =	ssub.s32 $0x2, s1;
	s1 =	smul.u32 $0x500, s1  }
0x8: {  	s25 =	sshll.u32 s12, $0x6;
	_ =	strace $0x8000004D;
	s5 =	smul.u32 $0x500, s4  }
0x9: {  	s4 =	sadd.s32 $0x17400, s0;
	s10 =	sshrl.u32 s8, $0x1;
	s24 =	sshrl.u32 s9, $0x2  }
0xa: {  	s13 =	sadd.s32 $0x4000, s11;
	s31 =	sadd.s32 $0x8000, s11;
	s16 =	sadd.s32 $0xC000, s11  }
0xb: {  	s18 =	sadd.s32 $0x10000, s11;
	s10 =	ssub.s32 s8, s10;
	s8 =	sadd.s32 s24, s2  }
0xc: {  	s26 =	sadd.s32 s13, s2;
	s14 =	sadd.s32 s31, s2;
	s19 =	sadd.s32 s16, s2  }
0xd: {  	s20 =	sadd.s32 s18, s2;
	s11 =	sadd.s32 s11, s17;
	[dreg:$0x3] =	wrdreg s8  }
0xe: {  	s21 =	sadd.s32 s17, s13;
	s24 =	sadd.s32 s17, s31;
	[dreg:$0x4] =	wrdreg s26  }
0xf: {  	s18 =	sadd.s32 s17, s18;
	s7 =	sadd.s32 s5, s0;
	[dreg:$0x5] =	wrdreg s14  }
0x10: {  	s5 =	sadd.s32 $0x2C00, s0;
	s0 =	sadd.s32 $0x3EC00, s0;
	[dreg:$0x6] =	wrdreg s19  }
0x11: {  	s8 =	sor.u32 $0x1C03, s25;
	[dreg:$0x7] =	wrdreg s20;
	s22 =	sshrl.u32 s11, $0x3  }
0x12: {  	s23 =	sshrl.u32 s21, $0x3;
	s25 =	sadd.s32 s17, s16;
	s26 =	smul.u32 $0xA00, s12  }
0x13: {  	s31 =	sshrl.u32 s18, $0x3;
	s19 =	smax.u32 s10, $0x1;
	s21 =	simm.s32 $0x3  }
0x14: {  	s7 =	sadd.s32 $0xCC00, s7;
	s14 =	sadd.s32 s0, s22;
	s15 =	sadd.s32 s0, s23  }
0x15: {  	s9 =	sshrl.u32 s25, $0x3;
	s18 =	sadd.s32 s0, s31;
	s22 =	simm.s32 $0x80  }
0x16: {  	s23 =	simm.s32 $0x2900;
	s25 =	simm.s32 $0x2800;
	[dreg:$0x8] =	wrdreg s7  }
0x17: {  	s7 =	sshrl.u32 s24, $0x3;
	s17 =	sadd.s32 s0, s9;
	s20 =	sadd.s32 s1, s26  }
0x18: {  	s24 =	simm.s32 $0x6900;
	s26 =	simm.s32 $0x2880;
	s16 =	sadd.s32 s0, s7  }
.LBB2_1:
0x19: {  	s0 =	rddreg [dreg:$0x3]  }
0x1a: {  	s31 =	sshrl.u32 s0, $0x3  }
0x1b: {  	[spmem:s31], [sflag:s8] =	dma.local [hbm:s6], $0x800  }
0x1c: {  	_ =	swait.ge [sflag:s21], $0x800  }
0x1d: {  	[sflag:s21] =	ssyncset.done $0x0;
	s10 =	rddreg [dreg:$0x4]  }
0x1e: {  	[sflag:s21] =	ssyncadd.s32 $0xFFFFF800;
	s1 =	sshrl.u32 s10, $0x3  }
0x1f: {  	[spmem:s1], [sflag:s8] =	dma.local [hbm:s6], $0x800  }
0x20: {  	_ =	swait.ge [sflag:s21], $0x800  }
0x21: {  	[sflag:s21] =	ssyncset.done $0x0;
	s11 =	rddreg [dreg:$0x5]  }
0x22: {  	[sflag:s21] =	ssyncadd.s32 $0xFFFFF800;
	s0 =	sshrl.u32 s11, $0x3  }
0x23: {  	[spmem:s0], [sflag:s8] =	dma.local [hbm:s6], $0x800  }
0x24: {  	_ =	swait.ge [sflag:s21], $0x800  }
0x25: {  	[sflag:s21] =	ssyncset.done $0x0;
	s7 =	rddreg [dreg:$0x6]  }
0x26: {  	[sflag:s21] =	ssyncadd.s32 $0xFFFFF800;
	s7 =	sshrl.u32 s7, $0x3  }
0x27: {  	[spmem:s7], [sflag:s8] =	dma.local [hbm:s6], $0x800  }
0x28: {  	_ =	swait.ge [sflag:s21], $0x800  }
0x29: {  	[sflag:s21] =	ssyncset.done $0x0;
	s9 =	rddreg [dreg:$0x7]  }
0x2a: {  	[sflag:s21] =	ssyncadd.s32 $0xFFFFF800;
	s9 =	sshrl.u32 s9, $0x3  }
0x2b: {  	[spmem:s9], [sflag:s8] =	dma.local [hbm:s6], $0x780  }
0x2c: {  	_ =	swait.ge [sflag:s21], $0x780  }
0x2d: {  	[sflag:s21] =	ssyncset.done $0x0  }
0x2e: {  	s10 =	rddreg [dreg:$0x8];
	[sflag:s21] =	ssyncadd.s32 $0xFFFFF880  }
0x2f: {  	[tilespmem:s3], [sflag:$0x3] =	stream.linear.gather [hbm4b:s10+s3], $0x2800, $0x38;
	[tilespmem:$0x1E500] =	vst v63  }
0x30: {  	_ =	swait.ge [sflag:s21], $0x2800  }
0x31: {  	[sflag:s21] =	ssyncset.done $0x0  }
0x32: {  	s12 =	simm.s32 $0x0;
	[sflag:s21] =	ssyncadd.s32 $0xFFFFD800  }
0x33: {  	s13 =	sadd.s32 $0x0, s20;
	s11 =	sand.u32 $0x60, s3;
	[bflag:$0x0] =	sbarrier.arrive $0xFFFF  }
0x34: {  	[tilespmem:s23], [sflag:$0x1] =	stream.indirect.gather [hbm4b:s4+s22], $0x80, s12, s22, $0xb8;
	[tilespmem:$0x1E500] =	vst v63  }
0x35: {  	s11 =	sadd.s32 s5, s11;
	s10 =	sand.u32 $0x1FF80, s13  }
0x36: {  	[tilespmem:s24], [sflag:$0x2] =	stream.indirect.gather [hbm4b:s4+s22], $0x80, s22, s22, $0xb8;
	[tilespmem:$0x1E500] =	vst v63  }
0x37: {  	s10 =	sadd.s32 s10, s11  }
0x38: {  	[tilespmem:s25], [sflag:$0x3] =	stream.linear.gather [hbm4b:s10+s3], $0x80, $0x38;
	[tilespmem:$0x1E500] =	vst v63  }
0x39: {  	_ =	swait.ge [sflag:s21], $0x80  }
0x3a: {  	[sflag:s21] =	ssyncset.done $0x0  }
0x3b: {  	s10 =	sadd.s32 $0x10, s10;
	[sflag:s21] =	ssyncadd.s32 $0xFFFFFF80  }
0x3c: {  	[tilespmem:s26], [sflag:$0x3] =	stream.linear.gather [hbm4b:s10+s3], $0x80, $0x38;
	[tilespmem:$0x1E500] =	vst v63  }
0x3d: {  	_ =	swait.ge [sflag:s21], $0x80  }
0x3e: {  	[sflag:s21] =	ssyncset.done $0x0  }
0x3f: {  	[sflag:s21] =	ssyncadd.s32 $0xFFFFFF80  }
0x40: {  	_ =	swait.ge [sflag:s28], $0x4000  }
0x41: {  	[sflag:s28] =	ssyncset.done $0x0  }
0x42: {  	[sflag:s28] =	ssyncadd.s32 $0xFFFFC000  }
0x43: {  	[spmem:s2] =	stream.indirect.scatter.add.f32 [tilespmem:s23], [sflag:$0x3], $0x80, s25, s22, $0xb8;
	[tilespmem:$0x1E500] =	vst v63  }
0x44: {  	_ =	swait.ge [sflag:s21], $0x4000  }
0x45: {  	[sflag:s21] =	ssyncset.done $0x0  }
0x46: {  	[sflag:s21] =	ssyncadd.s32 $0xFFFFC000  }
0x47: {  	_ =	swait.ge [sflag:s29], $0x4000  }
0x48: {  	[sflag:s29] =	ssyncset.done $0x0  }
0x49: {  	[sflag:s29] =	ssyncadd.s32 $0xFFFFC000  }
0x4a: {  	[spmem:s2] =	stream.indirect.scatter.add.f32 [tilespmem:s24], [sflag:$0x3], $0x80, s26, s22, $0xb8;
	[tilespmem:$0x1E500] =	vst v63  }
0x4b: {  	s11 =	simm.s32 $0x80;
	s10 =	simm.s32 $0x20;
	_ =	swait.ge [sflag:s21], $0x4000  }
.LBB2_2:
0x4c: {  	p0 =	sne.s32 s10, $0x4E0  }
0x4d: {  	[sflag:s21] =	ssyncset.done $0x0;
	s11 =	sadd.s32 $0x100, s11;
	s12 =	smov.u32 s10  }
0x4e: {  	s10 =	sadd.s32 $0x20, s10;
	s13 =	sadd.s32 $0xFFFFFF80, s11;
	[sflag:s21] =	ssyncadd.s32 $0xFFFFC000  }
0x4f: {  	[tilespmem:s23], [sflag:$0x1] =	stream.indirect.gather [hbm4b:s4+s22], $0x80, s13, s22, $0xb8;
	[tilespmem:$0x1E500] =	vst v63  }
0x50: {  	s13 =	sadd.s32 s12, s20;
	s12 =	sand.u32 $0x60, s12  }
0x51: {  	s13 =	sand.u32 $0x1FF80, s13;
	s12 =	sadd.s32 s5, s12  }
0x52: {  	[tilespmem:s24], [sflag:$0x2] =	stream.indirect.gather [hbm4b:s4+s22], $0x80, s11, s22, $0xb8;
	[tilespmem:$0x1E500] =	vst v63  }
0x53: {  	s12 =	sadd.s32 s13, s12  }
0x54: {  	[tilespmem:s25], [sflag:$0x3] =	stream.linear.gather [hbm4b:s12+s3], $0x80, $0x38;
	[tilespmem:$0x1E500] =	vst v63  }
0x55: {  	_ =	swait.ge [sflag:s21], $0x80  }
0x56: {  	s12 =	sadd.s32 $0x10, s12;
	[sflag:s21] =	ssyncset.done $0x0  }
0x57: {  	[sflag:s21] =	ssyncadd.s32 $0xFFFFFF80  }
0x58: {  	[tilespmem:s26], [sflag:$0x3] =	stream.linear.gather [hbm4b:s12+s3], $0x80, $0x38;
	[tilespmem:$0x1E500] =	vst v63  }
0x59: {  	_ =	swait.ge [sflag:s21], $0x80  }
0x5a: {  	[sflag:s21] =	ssyncset.done $0x0  }
0x5b: {  	[sflag:s21] =	ssyncadd.s32 $0xFFFFFF80  }
0x5c: {  	_ =	swait.ge [sflag:s28], $0x4000  }
0x5d: {  	[sflag:s28] =	ssyncset.done $0x0  }
0x5e: {  	[sflag:s28] =	ssyncadd.s32 $0xFFFFC000  }
0x5f: {  	[spmem:s2] =	stream.indirect.scatter.add.f32 [tilespmem:s23], [sflag:$0x3], $0x80, s25, s22, $0xb8;
	[tilespmem:$0x1E500] =	vst v63  }
0x60: {  	_ =	swait.ge [sflag:s21], $0x4000  }
0x61: {  	[sflag:s21] =	ssyncset.done $0x0  }
0x62: {  	[sflag:s21] =	ssyncadd.s32 $0xFFFFC000  }
.Ltmp0:
0x63: {  	_ =	swait.ge [sflag:s29], $0x4000;
	(pc) =	sbr.rel @p0 .LBB2_2-.Ltmp0, $4  }
0x64: {  	[sflag:s29] =	ssyncset.done $0x0  }
0x65: {  	[sflag:s29] =	ssyncadd.s32 $0xFFFFC000  }
0x66: {  	[spmem:s2] =	stream.indirect.scatter.add.f32 [tilespmem:s24], [sflag:$0x3], $0x80, s26, s22, $0xb8;
	[tilespmem:$0x1E500] =	vst v63  }
0x67: {  	_ =	swait.ge [sflag:s21], $0x4000  }
0x68: {  	[sflag:s21] =	ssyncset.done $0x0  }
0x69: {  	[sflag:s21] =	ssyncadd.s32 $0xFFFFC000  }
0x6a: {  	[bflag:$0x0] =	sbarrier.arrive $0xFFFF  }
0x6b: {  	[hbm:s14], [sflag:s8] =	dma.local [spmem:s31], $0x800  }
0x6c: {  	_ =	swait.ge [sflag:s21], $0x800  }
0x6d: {  	[sflag:s21] =	ssyncset.done $0x0  }
0x6e: {  	[sflag:s21] =	ssyncadd.s32 $0xFFFFF800  }
0x6f: {  	[hbm:s15], [sflag:s8] =	dma.local [spmem:s1], $0x800  }
0x70: {  	_ =	swait.ge [sflag:s21], $0x800  }
0x71: {  	[sflag:s21] =	ssyncset.done $0x0  }
0x72: {  	[sflag:s21] =	ssyncadd.s32 $0xFFFFF800  }
0x73: {  	[hbm:s16], [sflag:s8] =	dma.local [spmem:s0], $0x800  }
0x74: {  	_ =	swait.ge [sflag:s21], $0x800  }
0x75: {  	[sflag:s21] =	ssyncset.done $0x0  }
0x76: {  	[sflag:s21] =	ssyncadd.s32 $0xFFFFF800  }
0x77: {  	[hbm:s17], [sflag:s8] =	dma.local [spmem:s7], $0x800  }
0x78: {  	s30 =	sadd.s32 $0x1, s30;
	_ =	swait.ge [sflag:s21], $0x800  }
0x79: {  	p0 =	sne.s32 s30, s19;
	[sflag:s21] =	ssyncset.done $0x0  }
.Ltmp1:
0x7a: {  	[sflag:s21] =	ssyncadd.s32 $0xFFFFF800;
	(pc) =	sbr.rel @p0 .LBB2_1-.Ltmp1, $4  }
0x7b: {  	[hbm:s18], [sflag:s8] =	dma.local [spmem:s9], $0x780  }
0x7c: {  	_ =	swait.ge [sflag:s21], $0x780  }
0x7d: {  	[sflag:s21] =	ssyncset.done $0x0  }
0x7e: {  	[sflag:s21] =	ssyncadd.s32 $0xFFFFF880  }
0x7f: {  	_ =	sfence.sel $0x180000  }
0x80: {  	[bflag:$0x0] =	sbarrier.arrive $0xFFFF  }
0x81: {  	_ =	strace $0x9000004D  }
0x82: {  	s0 =	stileid.u32;
	[bflag:$0x2] =	sbarrier.arrive $0xFFFF  }
0x83: {  	p0 =	sne.s32 s0, $0x0;
	s0 =	rddreg [dreg:$0x2]  }
0x84: {  	s0 =	sadd.s32 @!p0 $0x100000, s0  }
0x85: {  	[sflag:s0] =	ssyncadd.tile.s32 @!p0 $0x1;
	_ =	shalt  }
.Lfunc_end2:
_tile_overlayer_lowered:
.L_overlay_start_2:
0x86: {  	(tag) =	ssettag $0x2  }
0x87: {  	s0 =	rddreg [dreg:$0x0];
	s2 =	stileid.u32  }
0x88: {  	s1 =	rddreg [dreg:$0x1];
	p0 =	sne.s32 s2, $0x0  }
0x89: {  	s3 =	rddreg [dreg:$0x2];
	[bflag:$0x3] =	sbarrier.arrive $0xFFFF;
	s2 =	simm.s32 @!p0 $0x1C03  }
0x8a: {  	[timem:s3], [sflag:s2] =	dma.local @!p0 [hbm:s0], s1  }
0x8b: {  	s0 =	simm.s32 @!p0 $0x3  }
0x8c: {  	_ =	swait.ge @!p0 [sflag:s0], s1  }
0x8d: {  	s1 =	ssub.s32 @!p0 $0x0, s1;
	[sflag:s0] =	ssyncset.done @!p0 $0x0  }
0x8e: {  	[sflag:s0] =	ssyncadd.s32 @!p0 s1  }
0x8f: {  	[bflag:$0x3] =	sbarrier.arrive $0xFFFF  }
0x90: {  	_ =	shalt  }

// kernel: kernel.8.cloned.1.call-start
scs
__scs_entry_jumppad:
0x0: {  	(pc) =	sbr.rel $0x88, $3  }
0x1: {  	(tag) =	ssettag $0x0;
	lr =	simm.s32 $0x1  }
0x2: {  	[smem:$0x3F98] =	sst lr;
	_ =	strace $0xD0000000  }
0x3: {  	_ = 	snop  }
0x4: {  	_ = 	snop  }
0x5: {  	_ = 	snop  }
0x6: {  	_ = 	snop  }
0x7: {  	_ = 	snop  }
__scs_overlays_trampoline_lowered:
0x8: {  	[smem:$0x3FA7] =	sst s0  }
0x9: {  	[smem:$0x3FA8] =	sst s1  }
0xa: {  	[smem:$0x3FA9] =	sst s2  }
0xb: {  	[smem:$0x3FAA] =	sst s3  }
0xc: {  	[smem:$0x3FAB] =	sst s4  }
0xd: {  	[smem:$0x3FAC] =	sst s5  }
0xe: {  	[smem:$0x3FAD] =	sst s6  }
0xf: {  	[smem:$0x3FAE] =	sst s7  }
0x10: {  	[smem:$0x3FAF] =	sst s8  }
0x11: {  	[smem:$0x3FB0] =	sst s9;
	s0 =	simm.s32 @!p0 $0x0  }
0x12: {  	s1 =	sld [smem:$0x3F96];
	s0 =	simm.s32 @p0 $0x1  }
0x13: {  	[smem:$0x3FB1] =	sst s0;
	s0 =	simm.s32 @!p1 $0x0  }
0x14: {  	s2 =	sld [smem:$0x3F95];
	s0 =	simm.s32 @p1 $0x1  }
0x15: {  	[smem:$0x3FB2] =	sst s0;
	s0 =	simm.s32 @!p2 $0x0  }
0x16: {  	s3 =	sld [smem:$0x3FDB];
	s0 =	simm.s32 @p2 $0x1  }
0x17: {  	s4 =	simm.s32 $0x1BF5;
	[smem:$0x3FB4] =	sst s0  }
0x18: {  	s0 =	sld [smem:$0x3F97];
	_ =	swait.ge [sflag:s4], $0x0  }
0x19: {  	s7 =	sld [smem:$0x3F98]  }
0x1a: {  	s8 =	sadd.s32 $0xFFFFE003, lr  }
0x1b: {  	s9 =	sadd.s32 $0xFFFFFEF7, lr;
	s5 =	simm.s32 $0xFFFFFFFF;
	p2 =	slt.u32 s8, $0xFFFFF086  }
0x1c: {  	p1 =	slt.u32 s9, $0xF7A;
	s5 =	simm.s32 @!p2 $0x0  }
0x1d: {  	s5 =	simm.s32 @p1 $0x1;
	p0 =	seq.s32 s7, s2  }
0x1e: {  	s7 =	smul.u32 @!p0 $0xF7A, s2;
	p2 =	seq.s32 @!p0 s5, $0x0  }
0x1f: {  	s9 =	smul.u32 $0xF7A, s1;
	s8 =	simm.s32 @!p0 $0x1BF5;
	p2 =	por !p2, p0  }
0x20: {  	[sflag:s8] =	ssyncset.s32 @!p0 $0xFFFFF086;
	s6 =	sadd.s32 @!p0 s3, s7;
	s7 =	simm.s32 @!p0 $0x108  }
0x21: {  	s3 =	sadd.s32 s3, s9;
	s6 =	sadd.s32 @!p0 $0x88, s6;
	s7 =	simm.s32 @p2 $0x1082  }
0x22: {  	[simem:s7], [sflag:s8] =	dma.local @!p0 [hbm:s6], $0xF7A  }
0x23: {  	s9 =	sor.u32 $0xD0000000, s2;
	s6 =	simm.s32 $0x108;
	_ =	swait.ge @!p0 [sflag:s8], $0x0  }
0x24: {  	s3 =	sadd.s32 $0x88, s3;
	s6 =	simm.s32 @!p1 $0x1082;
	[sflag:s4] =	ssyncset.s32 $0xFFFFF086  }
0x25: {  	[simem:s6], [sflag:s4] =	dma.local [hbm:s3], $0xF7A  }
0x26: {  	[smem:$0x3F98] =	sst s1;
	(tag) =	ssettag s2;
	_ =	strace s9  }
0x27: {  	s1 =	sld [smem:$0x3FA8]  }
0x28: {  	s2 =	sld [smem:$0x3FA9]  }
0x29: {  	s4 =	sld [smem:$0x3FAB]  }
0x2a: {  	p0 =	seq.s32 s5, $0x0;
	s5 =	sld [smem:$0x3FAC]  }
0x2b: {  	s6 =	sld [smem:$0x3FAD]  }
0x2c: {  	s7 =	sld [smem:$0x3FAE]  }
0x2d: {  	s3 =	simm.s32 $0x108;
	s8 =	sld [smem:$0x3FAF]  }
0x2e: {  	s3 =	simm.s32 @!p0 $0x1082;
	s9 =	sld [smem:$0x3FB0]  }
0x2f: {  	lr =	sadd.s32 s0, s3;
	s0 =	sld [smem:$0x3FA7]  }
0x30: {  	s3 =	sld [smem:$0x3FAA]  }
0x31: {  	[smem:$0x3FB3] =	sst s10  }
0x32: {  	s10 =	sld [smem:$0x3FB1];
	_ =	sdelay $0x3  }
0x33: {  	p0 =	seq.s32 s10, $0x1;
	s10 =	sld [smem:$0x3FB3];
	_ =	sdelay $0x3  }
0x34: {  	[smem:$0x3FB3] =	sst s10  }
0x35: {  	s10 =	sld [smem:$0x3FB2];
	_ =	sdelay $0x3  }
0x36: {  	p1 =	seq.s32 s10, $0x1;
	s10 =	sld [smem:$0x3FB3];
	_ =	sdelay $0x3  }
0x37: {  	[smem:$0x3FB3] =	sst s10  }
0x38: {  	s10 =	sld [smem:$0x3FB4]  }
0x39: {  	_ = 	snop;
	(pc) =	sbr.ind lr, $3  }
0x3a: {  	_ = 	snop  }
0x3b: {  	_ = 	snop  }
0x3c: {  	p2 =	seq.s32 s10, $0x1;
	s10 =	sld [smem:$0x3FB3]  }
0x3d: {  	_ =	shalt  }
0x3e: {  	_ =	shalt  }
0x3f: {  	_ =	shalt  }
0x40: {  	_ =	shalt  }
0x41: {  	_ =	shalt  }
0x42: {  	_ =	shalt  }
0x43: {  	_ =	shalt  }
0x44: {  	_ =	shalt  }
0x45: {  	_ =	shalt  }
0x46: {  	_ =	shalt  }
0x47: {  	_ =	shalt  }
0x48: {  	_ =	shalt  }
0x49: {  	_ =	shalt  }
0x4a: {  	_ =	shalt  }
0x4b: {  	_ =	shalt  }
0x4c: {  	_ =	shalt  }
0x4d: {  	_ =	shalt  }
0x4e: {  	_ =	shalt  }
0x4f: {  	_ =	shalt  }
0x50: {  	_ =	shalt  }
0x51: {  	_ =	shalt  }
0x52: {  	_ =	shalt  }
0x53: {  	_ =	shalt  }
0x54: {  	_ =	shalt  }
0x55: {  	_ =	shalt  }
0x56: {  	_ =	shalt  }
0x57: {  	_ =	shalt  }
0x58: {  	_ =	shalt  }
0x59: {  	_ =	shalt  }
0x5a: {  	_ =	shalt  }
0x5b: {  	_ =	shalt  }
0x5c: {  	_ =	shalt  }
0x5d: {  	_ =	shalt  }
0x5e: {  	_ =	shalt  }
0x5f: {  	_ =	shalt  }
0x60: {  	_ =	shalt  }
0x61: {  	_ =	shalt  }
0x62: {  	_ =	shalt  }
0x63: {  	_ =	shalt  }
0x64: {  	_ =	shalt  }
0x65: {  	_ =	shalt  }
0x66: {  	_ =	shalt  }
0x67: {  	_ =	shalt  }
0x68: {  	_ =	shalt  }
0x69: {  	_ =	shalt  }
0x6a: {  	_ =	shalt  }
0x6b: {  	_ =	shalt  }
0x6c: {  	_ =	shalt  }
0x6d: {  	_ =	shalt  }
0x6e: {  	_ =	shalt  }
0x6f: {  	_ =	shalt  }
0x70: {  	_ =	shalt  }
0x71: {  	_ =	shalt  }
0x72: {  	_ =	shalt  }
0x73: {  	_ =	shalt  }
0x74: {  	_ =	shalt  }
0x75: {  	_ =	shalt  }
0x76: {  	_ =	shalt  }
0x77: {  	_ =	shalt  }
0x78: {  	_ =	shalt  }
0x79: {  	_ =	shalt  }
0x7a: {  	_ =	shalt  }
0x7b: {  	_ =	shalt  }
0x7c: {  	_ =	shalt  }
0x7d: {  	_ =	shalt  }
0x7e: {  	_ =	shalt  }
0x7f: {  	_ =	shalt  }
0x80: {  	_ =	shalt  }
0x81: {  	_ =	shalt  }
0x82: {  	_ =	shalt  }
0x83: {  	_ =	shalt  }
0x84: {  	_ =	shalt  }
0x85: {  	_ =	shalt  }
0x86: {  	_ =	shalt  }
0x87: {  	_ =	shalt  }
.Lfunc_end0:
.L_simem_size_0:
called_computation_lowered:
.L_overlay_start_0:
0x88: {  	s2 =	sld [smem:$0x3FD9]  }
0x89: {  	s3 =	sld [smem:$0x3FFE];
	_ =	sdelay $0x1  }
0x8a: {  	s1 =	srdreg.scid  }
0x8b: {  	s0 =	sand.u32 $0x1, s1  }
0x8c: {  	s16 =	sshll.u32 s0, $0xA;
	s2 =	sadd.s32 s3, s2  }
0x8d: {  	s2 =	sadd.s32 s2, s16  }
0x8e: {  	[smem:$0x3FBF] =	sst s2  }
0x8f: {  	_ = 	snop  }
0x90: {  	(tm) =	ssettm $0x1  }
0x91: {  	s17 =	sld [smem:$0x3FFB];
	_ =	sdelay $0x3  }
0x92: {  	_ =	strace s17  }
0x93: {  	s2 =	sld [smem:$0x3FFC];
	_ =	sdelay $0x3  }
0x94: {  	_ =	strace s2  }
0x95: {  	s2 =	sld [smem:$0x3FFD];
	_ =	sdelay $0x3  }
0x96: {  	_ =	strace s2  }
0x97: {  	_ =	strace $0x8FFFFFFF  }
0x98: {  	s18 =	sld [smem:$0x3FDB];
	_ =	sdelay $0x1  }
0x99: {  	s19 =	simm.s32 $_scs_section_size  }
0x9a: {  	s4 =	simm.s32 $_size__tile_overlayer_lowered;
	s5 =	simm.s32 $_tile_overlayer_lowered  }
0x9b: {  	s22 =	simm.s32 $0x1BFF;
	s21 =	sshll.u32 s5, $0x1;
	s2 =	sadd.s32 s19, s18  }
0x9c: {  	s6 =	simm.s32 $0x0;
	s20 =	sshll.u32 s4, $0x1;
	s4 =	sadd.s32 s21, s2  }
0x9d: {  	[timem:s6], [sflag:s22] =	dma.local [hbm:s4], s20  }
0x9e: {  	_ =	swait.ge [sflag:s22], s20  }
0x9f: {  	s3 =	ssub.s32 $0x0, s20;
	[sflag:s22] =	ssyncset.done $0x0  }
0xa0: {  	[sflag:s22] =	ssyncadd.s32 s3;
	_ =	sdelay $0x1  }
0xa1: {  	s23 =	simm.s32 $0x1B8B  }
0xa2: {  	_ =	swait.ge [sflag:s23], $0x1  }
0xa3: {  	[sflag:s23] =	ssyncset.done $0x0  }
0xa4: {  	s25 =	simm.s32 $0x1B8E;
	s24 =	sld [smem:$0x3FFE];
	[sflag:s23] =	ssyncadd.s32 $0xFFFFFFFF  }
0xa5: {  	s26 =	simm.s32 $execute0_lowered;
	[smem:$0x3FD2] =	sst s25  }
0xa6: {  	s4 =	sshll.u32 s26, $0x1;
	_ =	strace $0x80000046;
	[dreg:$0x1] =	wrdreg $0xFFFFFFFF  }
0xa7: {  	s28 =	simm.s32 $_size_execute0_lowered;
	s2 =	sadd.s32 s2, s4;
	[dreg:$0x0] =	wrdreg $0x0  }
0xa8: {  	s4 =	sshll.u32 s28, $0x1;
	[dreg:$0x2] =	wrdreg s2  }
0xa9: {  	[dreg:$0x3] =	wrdreg s4  }
0xaa: {  	[dreg:$0x4] =	wrdreg $0xC0  }
0xab: {  	_ =	task [dreg:s6], $0x5FFFF  }
0xac: {  	[dreg:$0x1] =	wrdreg $0xFFFFFFFF  }
0xad: {  	[dreg:$0x0] =	wrdreg $0x60  }
0xae: {  	[dreg:$0x2] =	wrdreg s24  }
0xaf: {  	[dreg:$0x3] =	wrdreg $0x68000  }
0xb0: {  	[dreg:$0x4] =	wrdreg $0x9  }
0xb1: {  	_ =	task.clear_ibuf [dreg:s6], $0x5FFFF;
	_ =	strace $0x90000046  }
0xb2: {  	s29 =	simm.s32 $0x9;
	_ =	strace $0x80000048  }
0xb3: {  	_ =	swait.ge [sflag:s29], $0x1  }
0xb4: {  	[sflag:s29] =	ssyncadd.s32 $0xFFFFFFFF  }
0xb5: {  	_ =	strace $0x90000048  }
0xb6: {  	_ =	sfence  }
0xb7: {  	s30 =	sld [smem:$0x0];
	_ =	sdelay $0x2  }
0xb8: {  	s31 =	sshll.u32 s1, $0xD;
	s1 =	sshrl.u32 s1, $0x2  }
0xb9: {  	s3 =	sand.u32 $0x4000, s31;
	s1 =	sadd.s32 s1, s30  }
0xba: {  	s0 =	sor.u32 s3, s0;
	s1 =	sshll.u32 s1, $0x11  }
0xbb: {  	s0 =	sor.u32 s1, s0  }
0xbc: {  	s0 =	sadd.s32 $0x8F2B, s0  }
0xbd: {  	[sflag:s0] =	ssyncadd.remote.s32 $0x1  }
0xbe: {  	_ =	sfence.sel $0xFFFF  }
0xbf: {  	[dreg:$0x0] =	wrdreg $0xFFFFFFFF;
	(pc) =	sbr.abs _section_cstart, $3  }
0xc0: {  	[dreg:$0x1] =	wrdreg $0xFFFFFFFF  }
0xc1: {  	_ =	task.clear_ibuf [dreg:s6], $0x2FFFF;
	_ =	strace $0x9FFFFFFF  }
0xc2: {  	(tm) =	ssettm $0x7FFFFFFF  }
0xc3: {  	_ =	shalt  }
tec
execute0_lowered:
.L_overlay_start_1:
0x0: {  	(tag) =	ssettag $0x1  }
0x1: {  	s1 =	srdreg.scid;
	s6 =	rddreg [dreg:$0x0]  }
0x2: {  	s0 =	stileid.u32;
	s2 =	rddreg [dreg:$0x1];
	s3 =	simm.s32 $0x0  }
0x3: {  	s22 =	simm.s32 $0x0;
	s7 =	sand.u32 $0x1, s1;
	s1 =	rddreg [dreg:$0x2]  }
0x4: {  	s28 =	sshll.u32 s0, $0x1;
	[smem:$0x7FF] =	sst s3;
	s9 =	smul.u32 $0x4F000, s0  }
0x5: {  	s5 =	sadd.s32 $0x16C00, s6;
	s16 =	sadd.s32 $0x17C00, s6;
	s10 =	smul.u32 $0x13C00, s0  }
0x6: {  	s31 =	sshll.u32 s0, $0x6;
	s4 =	sor.u32 s7, s28;
	s19 =	smul.u32 $0x13C000, s7  }
0x7: {  	_ =	strace $0x80000047;
	s8 =	ssub.s32 $0x2, s7;
	s4 =	smul.u32 $0x500, s4  }
0x8: {  	s29 =	sshrl.u32 s8, $0x1;
	s30 =	sshrl.u32 s9, $0x2;
	s12 =	sadd.s32 $0x4000, s10  }
0x9: {  	s14 =	sadd.s32 $0x8000, s10;
	s15 =	sadd.s32 $0xC000, s10;
	s20 =	sadd.s32 $0x10000, s10  }
0xa: {  	s17 =	ssub.s32 s8, s29;
	s18 =	sadd.s32 s30, s2;
	s7 =	sadd.s32 s12, s2  }
0xb: {  	s8 =	sadd.s32 s14, s2;
	s9 =	sadd.s32 s15, s2;
	s13 =	sadd.s32 s10, s19  }
0xc: {  	s12 =	sadd.s32 s19, s12;
	s10 =	sadd.s32 s20, s2;
	s14 =	sadd.s32 s19, s14  }
0xd: {  	s15 =	sadd.s32 s19, s15;
	s19 =	sadd.s32 s19, s20;
	s20 =	simm.s32 $0x4000  }
0xe: {  	s11 =	sadd.s32 s4, s6;
	s4 =	sadd.s32 $0x17400, s6;
	s6 =	sor.u32 $0x1C01, s31  }
0xf: {  	s13 =	sshrl.u32 s13, $0x3;
	s21 =	sshrl.u32 s12, $0x3;
	s14 =	sshrl.u32 s14, $0x3  }
0x10: {  	s15 =	sshrl.u32 s15, $0x3;
	s19 =	sshrl.u32 s19, $0x3;
	s17 =	smax.u32 s17, $0x1  }
0x11: {  	s18 =	sshrl.u32 s18, $0x3;
	s11 =	sadd.s32 $0x2C00, s11;
	s12 =	sadd.s32 s16, s13  }
0x12: {  	s13 =	sadd.s32 s16, s21;
	s14 =	sadd.s32 s16, s14;
	s15 =	sadd.s32 s16, s15  }
0x13: {  	s16 =	sadd.s32 s16, s19;
	s19 =	simm.s32 $0x1;
	s21 =	simm.s32 $0x80  }
.LBB2_1:
0x14: {  	[spmem:s18], [sflag:s6] =	dma.local [hbm:s5], $0x800  }
0x15: {  	_ =	swait.ge [sflag:s19], $0x800  }
0x16: {  	[sflag:s19] =	ssyncset.done $0x0  }
0x17: {  	s23 =	sshrl.u32 s7, $0x3;
	[sflag:s19] =	ssyncadd.s32 $0xFFFFF800  }
0x18: {  	[spmem:s23], [sflag:s6] =	dma.local [hbm:s5], $0x800  }
0x19: {  	_ =	swait.ge [sflag:s19], $0x800  }
0x1a: {  	[sflag:s19] =	ssyncset.done $0x0  }
0x1b: {  	s24 =	sshrl.u32 s8, $0x3;
	[sflag:s19] =	ssyncadd.s32 $0xFFFFF800  }
0x1c: {  	[spmem:s24], [sflag:s6] =	dma.local [hbm:s5], $0x800  }
0x1d: {  	_ =	swait.ge [sflag:s19], $0x800  }
0x1e: {  	[sflag:s19] =	ssyncset.done $0x0  }
0x1f: {  	s25 =	sshrl.u32 s9, $0x3;
	[sflag:s19] =	ssyncadd.s32 $0xFFFFF800  }
0x20: {  	[spmem:s25], [sflag:s6] =	dma.local [hbm:s5], $0x800  }
0x21: {  	_ =	swait.ge [sflag:s19], $0x800  }
0x22: {  	[sflag:s19] =	ssyncset.done $0x0  }
0x23: {  	s26 =	sshrl.u32 s10, $0x3;
	[sflag:s19] =	ssyncadd.s32 $0xFFFFF800  }
0x24: {  	[spmem:s26], [sflag:s6] =	dma.local [hbm:s5], $0x780  }
0x25: {  	_ =	swait.ge [sflag:s19], $0x780  }
0x26: {  	[sflag:s19] =	ssyncset.done $0x0  }
0x27: {  	[sflag:s19] =	ssyncadd.s32 $0xFFFFF880  }
0x28: {  	[tilespmem:s3], [sflag:$0x1] =	stream.linear.gather [hbm4b:s4+s3], $0x4000, $0x38;
	[tilespmem:$0x1A400] =	vst v63  }
0x29: {  	_ =	swait.ge [sflag:s19], $0x4000  }
0x2a: {  	[sflag:s19] =	ssyncset.done $0x0  }
0x2b: {  	[sflag:s19] =	ssyncadd.s32 $0xFFFFC000  }
0x2c: {  	[tilespmem:s20], [sflag:$0x1] =	stream.linear.gather [hbm4b:s11+s3], $0x2800, $0x38;
	[tilespmem:$0x1A400] =	vst v63  }
0x2d: {  	_ =	swait.ge [sflag:s19], $0x2800  }
0x2e: {  	[sflag:s19] =	ssyncset.done $0x0  }
0x2f: {  	[sflag:s19] =	ssyncadd.s32 $0xFFFFD800  }
0x30: {  	s28 =	simm.s32 $0x4000;
	[bflag:$0x0] =	sbarrier.arrive $0xFFFF  }
0x31: {  	[spmem:s2] =	stream.indirect.scatter.add.f32 [tilespmem:s3], [sflag:$0x1], $0x80, s28, s21, $0xb8;
	[tilespmem:$0x1A400] =	vst v63  }
0x32: {  	s28 =	simm.s32 $0x200;
	_ =	swait.ge [sflag:s19], $0x4000  }
.LBB2_2:
0x33: {  	s29 =	sshra.s32 s28, $0x2;
	[sflag:s19] =	ssyncset.done $0x0;
	p0 =	sne.s32 s28, $0x9E00  }
.Ltmp0:
0x34: {  	s29 =	sadd.s32 $0x4000, s29;
	[sflag:s19] =	ssyncadd.s32 $0xFFFFC000;
	(pc) =	sbr.rel @p0 .LBB2_2-.Ltmp0, $3  }
0x35: {  	[spmem:s2] =	stream.indirect.scatter.add.f32 [tilespmem:s3], [sflag:$0x1], $0x80, s29, s21, $0xb8;
	[tilespmem:$0x1A400] =	vst v63  }
0x36: {  	s28 =	sadd.s32 $0x200, s28;
	_ =	sdelay $0x1  }
0x37: {  	_ =	swait.ge [sflag:s19], $0x4000  }
0x38: {  	[sflag:s19] =	ssyncset.done $0x0  }
0x39: {  	[sflag:s19] =	ssyncadd.s32 $0xFFFFC000  }
0x3a: {  	[bflag:$0x0] =	sbarrier.arrive $0xFFFF  }
0x3b: {  	[hbm:s12], [sflag:s6] =	dma.local [spmem:s18], $0x800  }
0x3c: {  	_ =	swait.ge [sflag:s19], $0x800  }
0x3d: {  	[sflag:s19] =	ssyncset.done $0x0  }
0x3e: {  	[sflag:s19] =	ssyncadd.s32 $0xFFFFF800  }
0x3f: {  	[hbm:s13], [sflag:s6] =	dma.local [spmem:s23], $0x800  }
0x40: {  	_ =	swait.ge [sflag:s19], $0x800  }
0x41: {  	[sflag:s19] =	ssyncset.done $0x0  }
0x42: {  	[sflag:s19] =	ssyncadd.s32 $0xFFFFF800  }
0x43: {  	[hbm:s14], [sflag:s6] =	dma.local [spmem:s24], $0x800  }
0x44: {  	_ =	swait.ge [sflag:s19], $0x800  }
0x45: {  	[sflag:s19] =	ssyncset.done $0x0  }
0x46: {  	[sflag:s19] =	ssyncadd.s32 $0xFFFFF800  }
0x47: {  	[hbm:s15], [sflag:s6] =	dma.local [spmem:s25], $0x800  }
0x48: {  	s22 =	sadd.s32 $0x1, s22;
	_ =	swait.ge [sflag:s19], $0x800  }
0x49: {  	p0 =	sne.s32 s22, s17;
	[sflag:s19] =	ssyncset.done $0x0  }
.Ltmp1:
0x4a: {  	[sflag:s19] =	ssyncadd.s32 $0xFFFFF800;
	(pc) =	sbr.rel @p0 .LBB2_1-.Ltmp1, $4  }
0x4b: {  	[hbm:s16], [sflag:s6] =	dma.local [spmem:s26], $0x780  }
0x4c: {  	_ =	swait.ge [sflag:s19], $0x780  }
0x4d: {  	[sflag:s19] =	ssyncset.done $0x0  }
0x4e: {  	[sflag:s19] =	ssyncadd.s32 $0xFFFFF880  }
0x4f: {  	_ =	sfence.sel $0x180000  }
0x50: {  	[bflag:$0x0] =	sbarrier.arrive $0xFFFF  }
0x51: {  	p0 =	sne.s32 s0, $0x0;
	_ =	strace $0x90000047  }
0x52: {  	s0 =	sadd.s32 @!p0 $0x100000, s1;
	[bflag:$0x2] =	sbarrier.arrive $0xFFFF  }
0x53: {  	[sflag:s0] =	ssyncadd.tile.s32 @!p0 $0x1;
	_ =	shalt  }
.Lfunc_end2:
_tile_overlayer_lowered:
.L_overlay_start_2:
0x54: {  	(tag) =	ssettag $0x2  }
0x55: {  	s0 =	rddreg [dreg:$0x0];
	s2 =	stileid.u32  }
0x56: {  	s1 =	rddreg [dreg:$0x1];
	p0 =	sne.s32 s2, $0x0  }
0x57: {  	s3 =	rddreg [dreg:$0x2];
	[bflag:$0x3] =	sbarrier.arrive $0xFFFF;
	s2 =	simm.s32 @!p0 $0x1C01  }
0x58: {  	[timem:s3], [sflag:s2] =	dma.local @!p0 [hbm:s0], s1  }
0x59: {  	s0 =	simm.s32 @!p0 $0x1  }
0x5a: {  	_ =	swait.ge @!p0 [sflag:s0], s1  }
0x5b: {  	s1 =	ssub.s32 @!p0 $0x0, s1;
	[sflag:s0] =	ssyncset.done @!p0 $0x0  }
0x5c: {  	[sflag:s0] =	ssyncadd.s32 @!p0 s1  }
0x5d: {  	[bflag:$0x3] =	sbarrier.arrive $0xFFFF  }
0x5e: {  	_ =	shalt  }

</sc_bundles>
